<compile_context>
chip_gen: v7x
topology: tpu7x:2x2x1
jax: 0.10.2.dev20260603
libtpu: 0.0.44.dev20260713+nightly
codegen_flags: <defaults>
</compile_context>

<pallas_src>
import functools

import jax
import jax.numpy as jnp
from jax import lax
from jax.experimental import pallas as pl
from jax.experimental.pallas import tpu as pltpu
from jax.experimental.pallas import tpu_sc as plsc

N = 10000
E = 320000
D = 128

NC = 2
NS = 16
NW = NC * NS

CH = 128
CH_A = 94
CH_B = 63
NCHUNK = max(CH_A, CH_B)
CAP_A = NS * CH_A * CH
CAP_B = NS * CH_B * CH

ROWS = 640
NPAD = ROWS * NS

_mesh = plsc.VectorSubcoreMesh(core_axis_name="c", subcore_axis_name="s",
                               num_cores=NC, num_subcores=NS)


@functools.partial(
    pl.kernel,
    out_type=jax.ShapeDtypeStruct((NC, NPAD, D), jnp.float32),
    mesh=_mesh,
    scratch_types=[
        pltpu.VMEM((NCHUNK, CH), jnp.int32),
        pltpu.VMEM((NCHUNK, CH), jnp.int32),
        pltpu.VMEM((CH, D), jnp.float32),
        pltpu.VMEM_SHARED((NPAD, D), jnp.float32),
        pltpu.SemaphoreType.DMA,
    ],
)
def _sc_segment_sum(x_hbm, src_hbm, dst_hbm, zeros_hbm, out_hbm,
                    src_v, dst_v, rows_v, agg_sh, sem):
    c = lax.axis_index("c")
    s = lax.axis_index("s")
    wid = c * NS + s
    nch = jnp.where(c == 0, CH_A, CH_B)

    pltpu.sync_copy(zeros_hbm, agg_sh.at[pl.ds(s * ROWS, ROWS)])
    pltpu.sync_copy(src_hbm.at[wid], src_v)
    pltpu.sync_copy(dst_hbm.at[wid], dst_v)
    plsc.subcore_barrier()

    def step(j, carry):
        pltpu.async_copy(x_hbm.at[src_v.at[j]], rows_v, sem).wait()
        pltpu.sync_copy(rows_v, agg_sh.at[dst_v.at[j]], add=True)
        return carry

    lax.fori_loop(0, nch, step, 0)
    plsc.subcore_barrier()
    pltpu.sync_copy(agg_sh.at[pl.ds(s * ROWS, ROWS)],
                    out_hbm.at[c, pl.ds(s * ROWS, ROWS)])


_R = 1000


def _dense_body(act, part_ref, x_ref, wr_ref, wt_ref, b_ref, o_ref):
    agg = part_ref[0] + part_ref[1]
    dn = (((1,), (1,)), ((), ()))
    v = lax.dot_general(agg, wr_ref[...], dn,
                        preferred_element_type=jnp.float32)
    v = v + lax.dot_general(x_ref[...], wt_ref[...], dn,
                            preferred_element_type=jnp.float32)
    v = v + b_ref[...]
    if act == "elu":
        o_ref[...] = jnp.where(v > 0, v, jnp.exp(v) - 1.0)
    else:
        o_ref[...] = 1.0 / (1.0 + jnp.exp(-v))


def _dense(part, x, w_rel, b_rel, w_root, act):
    return pl.pallas_call(
        functools.partial(_dense_body, act),
        grid=(N // _R,),
        in_specs=[
            pl.BlockSpec((NC, _R, D), lambda i: (0, i, 0)),
            pl.BlockSpec((_R, D), lambda i: (i, 0)),
            pl.BlockSpec((D, D), lambda i: (0, 0)),
            pl.BlockSpec((D, D), lambda i: (0, 0)),
            pl.BlockSpec((1, D), lambda i: (0, 0)),
        ],
        out_specs=pl.BlockSpec((_R, D), lambda i: (i, 0)),
        out_shape=jax.ShapeDtypeStruct((N, D), jnp.float32),
    )(part, x, w_rel, w_root, b_rel.reshape(1, D))


def _slab(v, n_chunks, pad_value):
    cap = NS * n_chunks * CH
    v = jnp.concatenate(
        [v, jnp.full((cap - v.shape[0],), pad_value, jnp.int32)])
    v = v.reshape(NS, n_chunks, CH)
    return jnp.pad(v, ((0, 0), (0, NCHUNK - n_chunks), (0, 0)))


def kernel(graph, edge_index, W_rel1, b_rel1, W_root1,
           W_rel2, b_rel2, W_root2, W_rel3, b_rel3, W_root3):
    src = edge_index[0].astype(jnp.int32)
    dst = edge_index[1].astype(jnp.int32)
    src_p = jnp.concatenate(
        [_slab(src[:CAP_A], CH_A, 0), _slab(src[CAP_A:], CH_B, 0)])
    dst_p = jnp.concatenate(
        [_slab(dst[:CAP_A], CH_A, N), _slab(dst[CAP_A:], CH_B, N)])
    zeros = jnp.zeros((ROWS, D), jnp.float32)

    x = graph
    outs = []
    for w_rel, b_rel, w_root, act in (
        (W_rel1, b_rel1, W_root1, "elu"),
        (W_rel2, b_rel2, W_root2, "elu"),
        (W_rel3, b_rel3, W_root3, "sigmoid"),
    ):
        part = _sc_segment_sum(x, src_p, dst_p, zeros)
        x = _dense(part, x, w_rel, b_rel, w_root, act)
        outs.append(x)
    return tuple(outs)

# --- scband reference (transcript-rebuilt; emitter-appended) ---
"""Pipeline reference for scband-three-gcn-1460288880956 (READ-ONLY COPY).

The authoritative reference and input builder live on the scoring server;
editing this copy changes nothing except your own understanding.
"""

import jax, jax.numpy as jnp
import numpy as np

N = 10000
E = 320000
D = 128


def _gcn_layer(x, src, dst, W_rel, b_rel, W_root):
    # PyG GraphConv: out = lin_rel(aggr_add(x_j over dst)) + lin_root(x)
    msgs = x[src]
    agg = jax.ops.segment_sum(msgs, dst, num_segments=x.shape[0])
    return agg @ W_rel.T + b_rel + x @ W_root.T


def setup_inputs(seed: int = 0) -> dict:
    key = jax.random.key(seed)
    ks = jax.random.split(key, 12)
    graph = jax.random.normal(ks[0], (N, D), dtype=jnp.float32)
    edge_index = jax.random.randint(ks[1], (2, E), 0, N)
    scale = 1.0 / np.sqrt(D)
    params = {}
    for i in range(3):
        params[f"W_rel{i+1}"] = jax.random.normal(ks[2 + 3 * i], (D, D), dtype=jnp.float32) * scale
        params[f"b_rel{i+1}"] = jnp.zeros((D,), dtype=jnp.float32)
        params[f"W_root{i+1}"] = jax.random.normal(ks[3 + 3 * i], (D, D), dtype=jnp.float32) * scale
    return {"graph": graph, "edge_index": edge_index, **params}


def reference(graph, edge_index, W_rel1, b_rel1, W_root1, W_rel2, b_rel2, W_root2, W_rel3, b_rel3, W_root3):
    src = edge_index[0]
    dst = edge_index[1]
    y1 = jax.nn.elu(_gcn_layer(graph, src, dst, W_rel1, b_rel1, W_root1))
    y2 = jax.nn.elu(_gcn_layer(y1, src, dst, W_rel2, b_rel2, W_root2))
    y3 = jax.nn.sigmoid(_gcn_layer(y2, src, dst, W_rel3, b_rel3, W_root3))
    return (y1, y2, y3)

if __name__ == "__main__":
    import jax
    _d = setup_inputs()
    print(jax.jit(kernel)(*tuple(_d.values())))

</pallas_src>

<mosaic_0001>
#map = affine_map<(d0, d1) -> (0, 0)>
#map1 = affine_map<(d0, d1) -> (0, 0, 0)>
module attributes {stable_mosaic.version = 14 : i64} {
  func.func @_sc_segment_sum(%arg0: i32, %arg1: i32, %arg2: memref<10000x128xf32, #tpu.memory_space<hbm>>, %arg3: memref<32x94x128xi32, #tpu.memory_space<hbm>>, %arg4: memref<32x94x128xi32, #tpu.memory_space<hbm>>, %arg5: memref<640x128xf32, #tpu.memory_space<hbm>>, %arg6: memref<2x10240x128xf32, #tpu.memory_space<hbm>>, %arg7: memref<94x128xi32, #tpu.memory_space<vmem>>, %arg8: memref<94x128xi32, #tpu.memory_space<vmem>>, %arg9: memref<128x128xf32, #tpu.memory_space<vmem>>, %arg10: memref<10240x128xf32, #tpu.memory_space<vmem_shared>>, %arg11: memref<!tpu.dma_semaphore, #tpu.memory_space<semaphore_mem>>) attributes {dimension_semantics = [#tpu.dimension_semantics<core_parallel>, #tpu.dimension_semantics<subcore_parallel>], iteration_bounds = array<i64: 2, 16>, scalar_prefetch = 0 : i64, scratch_operands = 5 : i64, tpu.core_type = #tpu.core_type<sc_vector_subcore>, window_params = [{transform_indices = #map}, {transform_indices = #map1}, {transform_indices = #map1}, {transform_indices = #map}, {transform_indices = #map1}]} {
    %mul3A = arith.constant 16 : i32
    %mul3A_0 = arith.muli %arg0, %mul3A : i32
    %add3A = arith.addi %mul3A_0, %arg1 : i32
    %eq3A = arith.constant 0 : i32
    %eq3A_1 = arith.cmpi eq, %arg0, %eq3A : i32
    %jit3A = arith.constant 94 : i32
    %jit3A_2 = arith.constant 63 : i32
    %select_n3A = arith.select %eq3A_1, %jit3A, %jit3A_2 : i32
    %mul3A_3 = arith.constant 640 : i32
    %mul3A_4 = arith.muli %arg1, %mul3A_3 : i32
    "tpu.region"() ({
      %run_scoped3A = tpu.sem_alloc : memref<!tpu.dma_semaphore, #tpu.memory_space<semaphore_mem>>
      %dma_start3A = arith.constant 0 : i32
      %dma_start3A_19 = tpu.memref_slice %arg10[%mul3A_4, %dma_start3A] : memref<10240x128xf32, #tpu.memory_space<vmem_shared>> -> memref<640x128xf32, #tpu.memory_space<vmem_shared>>
      tpu.enqueue_dma source(%arg5 : memref<640x128xf32, #tpu.memory_space<hbm>>) target(%dma_start3A_19 : memref<640x128xf32, #tpu.memory_space<vmem_shared>>) target_semaphore(%run_scoped3A : memref<!tpu.dma_semaphore, #tpu.memory_space<semaphore_mem>>)
      %dma_wait3A = arith.constant 0 : i32
      %dma_wait3A_20 = tpu.memref_slice %arg10[%mul3A_4, %dma_wait3A] : memref<10240x128xf32, #tpu.memory_space<vmem_shared>> -> memref<640x128xf32, #tpu.memory_space<vmem_shared>>
      tpu.wait_dma2 semaphore(%run_scoped3A : memref<!tpu.dma_semaphore, #tpu.memory_space<semaphore_mem>>) src(%arg5 : memref<640x128xf32, #tpu.memory_space<hbm>>) dst(%dma_wait3A_20 : memref<640x128xf32, #tpu.memory_space<vmem_shared>>)
      tpu.yield
    }) : () -> ()
    "tpu.region"() ({
      %run_scoped3A = tpu.sem_alloc : memref<!tpu.dma_semaphore, #tpu.memory_space<semaphore_mem>>
      %dma_start3A = arith.constant 0 : i32
      %dma_start3A_19 = arith.constant 0 : i32
      %dma_start3A_20 = tpu.memref_slice %arg3[%add3A, %dma_start3A, %dma_start3A_19] : memref<32x94x128xi32, #tpu.memory_space<hbm>> -> memref<1x94x128xi32, #tpu.memory_space<hbm>>
      %dma_start3A_21 = tpu.memref_squeeze %dma_start3A_20 : memref<1x94x128xi32, #tpu.memory_space<hbm>> -> memref<94x128xi32, #tpu.memory_space<hbm>>
      %dma_start3A_22 = arith.constant 0 : i32
      %dma_start3A_23 = arith.constant 0 : i32
      %dma_start3A_24 = tpu.memref_slice %arg3[%add3A, %dma_start3A_22, %dma_start3A_23] : memref<32x94x128xi32, #tpu.memory_space<hbm>> -> memref<1x94x128xi32, #tpu.memory_space<hbm>>
      %dma_start3A_25 = tpu.memref_squeeze %dma_start3A_24 : memref<1x94x128xi32, #tpu.memory_space<hbm>> -> memref<94x128xi32, #tpu.memory_space<hbm>>
      tpu.enqueue_dma source(%dma_start3A_25 : memref<94x128xi32, #tpu.memory_space<hbm>>) target(%arg7 : memref<94x128xi32, #tpu.memory_space<vmem>>) target_semaphore(%run_scoped3A : memref<!tpu.dma_semaphore, #tpu.memory_space<semaphore_mem>>)
      %dma_wait3A = arith.constant 0 : i32
      %dma_wait3A_26 = arith.constant 0 : i32
      %dma_wait3A_27 = tpu.memref_slice %arg3[%add3A, %dma_wait3A, %dma_wait3A_26] : memref<32x94x128xi32, #tpu.memory_space<hbm>> -> memref<1x94x128xi32, #tpu.memory_space<hbm>>
      %dma_wait3A_28 = tpu.memref_squeeze %dma_wait3A_27 : memref<1x94x128xi32, #tpu.memory_space<hbm>> -> memref<94x128xi32, #tpu.memory_space<hbm>>
      %dma_wait3A_29 = arith.constant 0 : i32
      %dma_wait3A_30 = arith.constant 0 : i32
      %dma_wait3A_31 = tpu.memref_slice %arg3[%add3A, %dma_wait3A_29, %dma_wait3A_30] : memref<32x94x128xi32, #tpu.memory_space<hbm>> -> memref<1x94x128xi32, #tpu.memory_space<hbm>>
      %dma_wait3A_32 = tpu.memref_squeeze %dma_wait3A_31 : memref<1x94x128xi32, #tpu.memory_space<hbm>> -> memref<94x128xi32, #tpu.memory_space<hbm>>
      tpu.wait_dma2 semaphore(%run_scoped3A : memref<!tpu.dma_semaphore, #tpu.memory_space<semaphore_mem>>) src(%dma_wait3A_32 : memref<94x128xi32, #tpu.memory_space<hbm>>) dst(%arg7 : memref<94x128xi32, #tpu.memory_space<vmem>>)
      tpu.yield
    }) : () -> ()
    "tpu.region"() ({
      %run_scoped3A = tpu.sem_alloc : memref<!tpu.dma_semaphore, #tpu.memory_space<semaphore_mem>>
      %dma_start3A = arith.constant 0 : i32
      %dma_start3A_19 = arith.constant 0 : i32
      %dma_start3A_20 = tpu.memref_slice %arg4[%add3A, %dma_start3A, %dma_start3A_19] : memref<32x94x128xi32, #tpu.memory_space<hbm>> -> memref<1x94x128xi32, #tpu.memory_space<hbm>>
      %dma_start3A_21 = tpu.memref_squeeze %dma_start3A_20 : memref<1x94x128xi32, #tpu.memory_space<hbm>> -> memref<94x128xi32, #tpu.memory_space<hbm>>
      %dma_start3A_22 = arith.constant 0 : i32
      %dma_start3A_23 = arith.constant 0 : i32
      %dma_start3A_24 = tpu.memref_slice %arg4[%add3A, %dma_start3A_22, %dma_start3A_23] : memref<32x94x128xi32, #tpu.memory_space<hbm>> -> memref<1x94x128xi32, #tpu.memory_space<hbm>>
      %dma_start3A_25 = tpu.memref_squeeze %dma_start3A_24 : memref<1x94x128xi32, #tpu.memory_space<hbm>> -> memref<94x128xi32, #tpu.memory_space<hbm>>
      tpu.enqueue_dma source(%dma_start3A_25 : memref<94x128xi32, #tpu.memory_space<hbm>>) target(%arg8 : memref<94x128xi32, #tpu.memory_space<vmem>>) target_semaphore(%run_scoped3A : memref<!tpu.dma_semaphore, #tpu.memory_space<semaphore_mem>>)
      %dma_wait3A = arith.constant 0 : i32
      %dma_wait3A_26 = arith.constant 0 : i32
      %dma_wait3A_27 = tpu.memref_slice %arg4[%add3A, %dma_wait3A, %dma_wait3A_26] : memref<32x94x128xi32, #tpu.memory_space<hbm>> -> memref<1x94x128xi32, #tpu.memory_space<hbm>>
      %dma_wait3A_28 = tpu.memref_squeeze %dma_wait3A_27 : memref<1x94x128xi32, #tpu.memory_space<hbm>> -> memref<94x128xi32, #tpu.memory_space<hbm>>
      %dma_wait3A_29 = arith.constant 0 : i32
      %dma_wait3A_30 = arith.constant 0 : i32
      %dma_wait3A_31 = tpu.memref_slice %arg4[%add3A, %dma_wait3A_29, %dma_wait3A_30] : memref<32x94x128xi32, #tpu.memory_space<hbm>> -> memref<1x94x128xi32, #tpu.memory_space<hbm>>
      %dma_wait3A_32 = tpu.memref_squeeze %dma_wait3A_31 : memref<1x94x128xi32, #tpu.memory_space<hbm>> -> memref<94x128xi32, #tpu.memory_space<hbm>>
      tpu.wait_dma2 semaphore(%run_scoped3A : memref<!tpu.dma_semaphore, #tpu.memory_space<semaphore_mem>>) src(%dma_wait3A_32 : memref<94x128xi32, #tpu.memory_space<hbm>>) dst(%arg8 : memref<94x128xi32, #tpu.memory_space<vmem>>)
      tpu.yield
    }) : () -> ()
    %barrier3A = arith.constant 0 : index
    tpu.barrier barrier_id(%barrier3A)
    %while3A = arith.constant 0 : i32
    %while3A_5 = arith.constant 0 : i32
    %while3A_6 = arith.subi %select_n3A, %while3A_5 : i32
    %while3A_7 = arith.addi %while3A_5, %while3A_6 : i32
    %while3A_8 = arith.constant 1 : i32
    %while3A_9 = arith.divsi %while3A_6, %while3A_8 : i32
    %while3A_10 = arith.muli %while3A_9, %while3A_8 : i32
    %while3A_11 = arith.addi %while3A_5, %while3A_10 : i32
    %while3A_12 = arith.constant 1 : i32
    scf.for %while3A_19 = %while3A_5 to %while3A_11 step %while3A_12  : i32 {
      %dma_start3A = arith.constant 0 : i32
      %dma_start3A_20 = tpu.memref_slice %arg7[%while3A_19, %dma_start3A] : memref<94x128xi32, #tpu.memory_space<vmem>> -> memref<1x128xi32, #tpu.memory_space<vmem>>
      %dma_start3A_21 = tpu.memref_squeeze %dma_start3A_20 : memref<1x128xi32, #tpu.memory_space<vmem>> -> memref<128xi32, #tpu.memory_space<vmem>>
      %dma_start3A_22 = arith.constant 0 : i32
      %dma_start3A_23 = arith.constant 0 : i32
      %dma_start3A_24 = tpu.memref_slice %arg2[%dma_start3A_22, %dma_start3A_23] : memref<10000x128xf32, #tpu.memory_space<hbm>> -> memref<10000x128xf32, #tpu.memory_space<hbm>>
      tpu.enqueue_indirect_dma source(%dma_start3A_24 : memref<10000x128xf32, #tpu.memory_space<hbm>>) target(%arg9 : memref<128x128xf32, #tpu.memory_space<vmem>>) offsets(%dma_start3A_21 : memref<128xi32, #tpu.memory_space<vmem>>) semaphore(%arg11 : memref<!tpu.dma_semaphore, #tpu.memory_space<semaphore_mem>>)
      %dma_wait3A = arith.constant 0 : i32
      %dma_wait3A_25 = tpu.memref_slice %arg7[%while3A_19, %dma_wait3A] : memref<94x128xi32, #tpu.memory_space<vmem>> -> memref<1x128xi32, #tpu.memory_space<vmem>>
      %dma_wait3A_26 = tpu.memref_squeeze %dma_wait3A_25 : memref<1x128xi32, #tpu.memory_space<vmem>> -> memref<128xi32, #tpu.memory_space<vmem>>
      %dma_wait3A_27 = arith.constant 0 : i32
      %dma_wait3A_28 = arith.constant 0 : i32
      %dma_wait3A_29 = tpu.memref_slice %arg2[%dma_wait3A_27, %dma_wait3A_28] : memref<10000x128xf32, #tpu.memory_space<hbm>> -> memref<10000x128xf32, #tpu.memory_space<hbm>>
      tpu.wait_indirect_dma semaphore(%arg11 : memref<!tpu.dma_semaphore, #tpu.memory_space<semaphore_mem>>) src(%dma_wait3A_29 : memref<10000x128xf32, #tpu.memory_space<hbm>>) dst(%arg9 : memref<128x128xf32, #tpu.memory_space<vmem>>)
      "tpu.region"() ({
        %run_scoped3A = tpu.sem_alloc : memref<!tpu.dma_semaphore, #tpu.memory_space<semaphore_mem>>
        %dma_start3A_30 = arith.constant 0 : i32
        %dma_start3A_31 = tpu.memref_slice %arg8[%while3A_19, %dma_start3A_30] : memref<94x128xi32, #tpu.memory_space<vmem>> -> memref<1x128xi32, #tpu.memory_space<vmem>>
        %dma_start3A_32 = tpu.memref_squeeze %dma_start3A_31 : memref<1x128xi32, #tpu.memory_space<vmem>> -> memref<128xi32, #tpu.memory_space<vmem>>
        %dma_start3A_33 = arith.constant 0 : i32
        %dma_start3A_34 = arith.constant 0 : i32
        %dma_start3A_35 = tpu.memref_slice %arg10[%dma_start3A_33, %dma_start3A_34] : memref<10240x128xf32, #tpu.memory_space<vmem_shared>> -> memref<10240x128xf32, #tpu.memory_space<vmem_shared>>
        tpu.enqueue_indirect_dma source(%arg9 : memref<128x128xf32, #tpu.memory_space<vmem>>) target(%dma_start3A_35 : memref<10240x128xf32, #tpu.memory_space<vmem_shared>>) offsets(%dma_start3A_32 : memref<128xi32, #tpu.memory_space<vmem>>) semaphore(%run_scoped3A : memref<!tpu.dma_semaphore, #tpu.memory_space<semaphore_mem>>) {add = true}
        %dma_wait3A_36 = arith.constant 0 : i32
        %dma_wait3A_37 = tpu.memref_slice %arg8[%while3A_19, %dma_wait3A_36] : memref<94x128xi32, #tpu.memory_space<vmem>> -> memref<1x128xi32, #tpu.memory_space<vmem>>
        %dma_wait3A_38 = tpu.memref_squeeze %dma_wait3A_37 : memref<1x128xi32, #tpu.memory_space<vmem>> -> memref<128xi32, #tpu.memory_space<vmem>>
        %dma_wait3A_39 = arith.constant 0 : i32
        %dma_wait3A_40 = arith.constant 0 : i32
        %dma_wait3A_41 = tpu.memref_slice %arg10[%dma_wait3A_39, %dma_wait3A_40] : memref<10240x128xf32, #tpu.memory_space<vmem_shared>> -> memref<10240x128xf32, #tpu.memory_space<vmem_shared>>
        tpu.wait_indirect_dma semaphore(%run_scoped3A : memref<!tpu.dma_semaphore, #tpu.memory_space<semaphore_mem>>) src(%arg9 : memref<128x128xf32, #tpu.memory_space<vmem>>) dst(%dma_wait3A_41 : memref<10240x128xf32, #tpu.memory_space<vmem_shared>>)
        tpu.yield
      }) : () -> ()
    }
    %while3A_13 = arith.constant 1 : i32
    scf.for %while3A_19 = %while3A_11 to %while3A_7 step %while3A_13  : i32 {
      %dma_start3A = arith.constant 0 : i32
      %dma_start3A_20 = tpu.memref_slice %arg7[%while3A_19, %dma_start3A] : memref<94x128xi32, #tpu.memory_space<vmem>> -> memref<1x128xi32, #tpu.memory_space<vmem>>
      %dma_start3A_21 = tpu.memref_squeeze %dma_start3A_20 : memref<1x128xi32, #tpu.memory_space<vmem>> -> memref<128xi32, #tpu.memory_space<vmem>>
      %dma_start3A_22 = arith.constant 0 : i32
      %dma_start3A_23 = arith.constant 0 : i32
      %dma_start3A_24 = tpu.memref_slice %arg2[%dma_start3A_22, %dma_start3A_23] : memref<10000x128xf32, #tpu.memory_space<hbm>> -> memref<10000x128xf32, #tpu.memory_space<hbm>>
      tpu.enqueue_indirect_dma source(%dma_start3A_24 : memref<10000x128xf32, #tpu.memory_space<hbm>>) target(%arg9 : memref<128x128xf32, #tpu.memory_space<vmem>>) offsets(%dma_start3A_21 : memref<128xi32, #tpu.memory_space<vmem>>) semaphore(%arg11 : memref<!tpu.dma_semaphore, #tpu.memory_space<semaphore_mem>>)
      %dma_wait3A = arith.constant 0 : i32
      %dma_wait3A_25 = tpu.memref_slice %arg7[%while3A_19, %dma_wait3A] : memref<94x128xi32, #tpu.memory_space<vmem>> -> memref<1x128xi32, #tpu.memory_space<vmem>>
      %dma_wait3A_26 = tpu.memref_squeeze %dma_wait3A_25 : memref<1x128xi32, #tpu.memory_space<vmem>> -> memref<128xi32, #tpu.memory_space<vmem>>
      %dma_wait3A_27 = arith.constant 0 : i32
      %dma_wait3A_28 = arith.constant 0 : i32
      %dma_wait3A_29 = tpu.memref_slice %arg2[%dma_wait3A_27, %dma_wait3A_28] : memref<10000x128xf32, #tpu.memory_space<hbm>> -> memref<10000x128xf32, #tpu.memory_space<hbm>>
      tpu.wait_indirect_dma semaphore(%arg11 : memref<!tpu.dma_semaphore, #tpu.memory_space<semaphore_mem>>) src(%dma_wait3A_29 : memref<10000x128xf32, #tpu.memory_space<hbm>>) dst(%arg9 : memref<128x128xf32, #tpu.memory_space<vmem>>)
      "tpu.region"() ({
        %run_scoped3A = tpu.sem_alloc : memref<!tpu.dma_semaphore, #tpu.memory_space<semaphore_mem>>
        %dma_start3A_30 = arith.constant 0 : i32
        %dma_start3A_31 = tpu.memref_slice %arg8[%while3A_19, %dma_start3A_30] : memref<94x128xi32, #tpu.memory_space<vmem>> -> memref<1x128xi32, #tpu.memory_space<vmem>>
        %dma_start3A_32 = tpu.memref_squeeze %dma_start3A_31 : memref<1x128xi32, #tpu.memory_space<vmem>> -> memref<128xi32, #tpu.memory_space<vmem>>
        %dma_start3A_33 = arith.constant 0 : i32
        %dma_start3A_34 = arith.constant 0 : i32
        %dma_start3A_35 = tpu.memref_slice %arg10[%dma_start3A_33, %dma_start3A_34] : memref<10240x128xf32, #tpu.memory_space<vmem_shared>> -> memref<10240x128xf32, #tpu.memory_space<vmem_shared>>
        tpu.enqueue_indirect_dma source(%arg9 : memref<128x128xf32, #tpu.memory_space<vmem>>) target(%dma_start3A_35 : memref<10240x128xf32, #tpu.memory_space<vmem_shared>>) offsets(%dma_start3A_32 : memref<128xi32, #tpu.memory_space<vmem>>) semaphore(%run_scoped3A : memref<!tpu.dma_semaphore, #tpu.memory_space<semaphore_mem>>) {add = true}
        %dma_wait3A_36 = arith.constant 0 : i32
        %dma_wait3A_37 = tpu.memref_slice %arg8[%while3A_19, %dma_wait3A_36] : memref<94x128xi32, #tpu.memory_space<vmem>> -> memref<1x128xi32, #tpu.memory_space<vmem>>
        %dma_wait3A_38 = tpu.memref_squeeze %dma_wait3A_37 : memref<1x128xi32, #tpu.memory_space<vmem>> -> memref<128xi32, #tpu.memory_space<vmem>>
        %dma_wait3A_39 = arith.constant 0 : i32
        %dma_wait3A_40 = arith.constant 0 : i32
        %dma_wait3A_41 = tpu.memref_slice %arg10[%dma_wait3A_39, %dma_wait3A_40] : memref<10240x128xf32, #tpu.memory_space<vmem_shared>> -> memref<10240x128xf32, #tpu.memory_space<vmem_shared>>
        tpu.wait_indirect_dma semaphore(%run_scoped3A : memref<!tpu.dma_semaphore, #tpu.memory_space<semaphore_mem>>) src(%arg9 : memref<128x128xf32, #tpu.memory_space<vmem>>) dst(%dma_wait3A_41 : memref<10240x128xf32, #tpu.memory_space<vmem_shared>>)
        tpu.yield
      }) : () -> ()
    }
    %barrier3A_14 = arith.constant 0 : index
    tpu.barrier barrier_id(%barrier3A_14)
    %mul3A_15 = arith.constant 640 : i32
    %mul3A_16 = arith.muli %arg1, %mul3A_15 : i32
    %mul3A_17 = arith.constant 640 : i32
    %mul3A_18 = arith.muli %arg1, %mul3A_17 : i32
    "tpu.region"() ({
      %run_scoped3A = tpu.sem_alloc : memref<!tpu.dma_semaphore, #tpu.memory_space<semaphore_mem>>
      %dma_start3A = arith.constant 0 : i32
      %dma_start3A_19 = tpu.memref_slice %arg6[%arg0, %mul3A_18, %dma_start3A] : memref<2x10240x128xf32, #tpu.memory_space<hbm>> -> memref<1x640x128xf32, #tpu.memory_space<hbm>>
      %dma_start3A_20 = tpu.memref_squeeze %dma_start3A_19 : memref<1x640x128xf32, #tpu.memory_space<hbm>> -> memref<640x128xf32, #tpu.memory_space<hbm>>
      %dma_start3A_21 = arith.constant 0 : i32
      %dma_start3A_22 = tpu.memref_slice %arg10[%mul3A_16, %dma_start3A_21] : memref<10240x128xf32, #tpu.memory_space<vmem_shared>> -> memref<640x128xf32, #tpu.memory_space<vmem_shared>>
      tpu.enqueue_dma source(%dma_start3A_22 : memref<640x128xf32, #tpu.memory_space<vmem_shared>>) target(%dma_start3A_20 : memref<640x128xf32, #tpu.memory_space<hbm>>) target_semaphore(%run_scoped3A : memref<!tpu.dma_semaphore, #tpu.memory_space<semaphore_mem>>)
      %dma_wait3A = arith.constant 0 : i32
      %dma_wait3A_23 = tpu.memref_slice %arg6[%arg0, %mul3A_18, %dma_wait3A] : memref<2x10240x128xf32, #tpu.memory_space<hbm>> -> memref<1x640x128xf32, #tpu.memory_space<hbm>>
      %dma_wait3A_24 = tpu.memref_squeeze %dma_wait3A_23 : memref<1x640x128xf32, #tpu.memory_space<hbm>> -> memref<640x128xf32, #tpu.memory_space<hbm>>
      %dma_wait3A_25 = arith.constant 0 : i32
      %dma_wait3A_26 = tpu.memref_slice %arg10[%mul3A_16, %dma_wait3A_25] : memref<10240x128xf32, #tpu.memory_space<vmem_shared>> -> memref<640x128xf32, #tpu.memory_space<vmem_shared>>
      tpu.wait_dma2 semaphore(%run_scoped3A : memref<!tpu.dma_semaphore, #tpu.memory_space<semaphore_mem>>) src(%dma_wait3A_26 : memref<640x128xf32, #tpu.memory_space<vmem_shared>>) dst(%dma_wait3A_24 : memref<640x128xf32, #tpu.memory_space<hbm>>)
      tpu.yield
    }) : () -> ()
    return
  }
}

#map = affine_map<(d0, d1) -> (0, 0)>
#map1 = affine_map<(d0, d1) -> (0, 0, 0)>
module attributes {stable_mosaic.version = 14 : i64} {
  func.func @_sc_segment_sum(%arg0: i32, %arg1: i32, %arg2: memref<10000x128xf32, #tpu.memory_space<hbm>>, %arg3: memref<32x94x128xi32, #tpu.memory_space<hbm>>, %arg4: memref<32x94x128xi32, #tpu.memory_space<hbm>>, %arg5: memref<640x128xf32, #tpu.memory_space<hbm>>, %arg6: memref<2x10240x128xf32, #tpu.memory_space<hbm>>, %arg7: memref<94x128xi32, #tpu.memory_space<vmem>>, %arg8: memref<94x128xi32, #tpu.memory_space<vmem>>, %arg9: memref<128x128xf32, #tpu.memory_space<vmem>>, %arg10: memref<10240x128xf32, #tpu.memory_space<vmem_shared>>, %arg11: memref<!tpu.dma_semaphore, #tpu.memory_space<semaphore_mem>>) attributes {dimension_semantics = [#tpu.dimension_semantics<core_parallel>, #tpu.dimension_semantics<subcore_parallel>], iteration_bounds = array<i64: 2, 16>, scalar_prefetch = 0 : i64, scratch_operands = 5 : i64, tpu.core_type = #tpu.core_type<sc_vector_subcore>, window_params = [{transform_indices = #map}, {transform_indices = #map1}, {transform_indices = #map1}, {transform_indices = #map}, {transform_indices = #map1}]} {
    %mul3A = arith.constant 16 : i32
    %mul3A_0 = arith.muli %arg0, %mul3A : i32
    %add3A = arith.addi %mul3A_0, %arg1 : i32
    %eq3A = arith.constant 0 : i32
    %eq3A_1 = arith.cmpi eq, %arg0, %eq3A : i32
    %jit3A = arith.constant 94 : i32
    %jit3A_2 = arith.constant 63 : i32
    %select_n3A = arith.select %eq3A_1, %jit3A, %jit3A_2 : i32
    %mul3A_3 = arith.constant 640 : i32
    %mul3A_4 = arith.muli %arg1, %mul3A_3 : i32
    "tpu.region"() ({
      %run_scoped3A = tpu.sem_alloc : memref<!tpu.dma_semaphore, #tpu.memory_space<semaphore_mem>>
      %dma_start3A = arith.constant 0 : i32
      %dma_start3A_19 = tpu.memref_slice %arg10[%mul3A_4, %dma_start3A] : memref<10240x128xf32, #tpu.memory_space<vmem_shared>> -> memref<640x128xf32, #tpu.memory_space<vmem_shared>>
      tpu.enqueue_dma source(%arg5 : memref<640x128xf32, #tpu.memory_space<hbm>>) target(%dma_start3A_19 : memref<640x128xf32, #tpu.memory_space<vmem_shared>>) target_semaphore(%run_scoped3A : memref<!tpu.dma_semaphore, #tpu.memory_space<semaphore_mem>>)
      %dma_wait3A = arith.constant 0 : i32
      %dma_wait3A_20 = tpu.memref_slice %arg10[%mul3A_4, %dma_wait3A] : memref<10240x128xf32, #tpu.memory_space<vmem_shared>> -> memref<640x128xf32, #tpu.memory_space<vmem_shared>>
      tpu.wait_dma2 semaphore(%run_scoped3A : memref<!tpu.dma_semaphore, #tpu.memory_space<semaphore_mem>>) src(%arg5 : memref<640x128xf32, #tpu.memory_space<hbm>>) dst(%dma_wait3A_20 : memref<640x128xf32, #tpu.memory_space<vmem_shared>>)
      tpu.yield
    }) : () -> ()
    "tpu.region"() ({
      %run_scoped3A = tpu.sem_alloc : memref<!tpu.dma_semaphore, #tpu.memory_space<semaphore_mem>>
      %dma_start3A = arith.constant 0 : i32
      %dma_start3A_19 = arith.constant 0 : i32
      %dma_start3A_20 = tpu.memref_slice %arg3[%add3A, %dma_start3A, %dma_start3A_19] : memref<32x94x128xi32, #tpu.memory_space<hbm>> -> memref<1x94x128xi32, #tpu.memory_space<hbm>>
      %dma_start3A_21 = tpu.memref_squeeze %dma_start3A_20 : memref<1x94x128xi32, #tpu.memory_space<hbm>> -> memref<94x128xi32, #tpu.memory_space<hbm>>
      %dma_start3A_22 = arith.constant 0 : i32
      %dma_start3A_23 = arith.constant 0 : i32
      %dma_start3A_24 = tpu.memref_slice %arg3[%add3A, %dma_start3A_22, %dma_start3A_23] : memref<32x94x128xi32, #tpu.memory_space<hbm>> -> memref<1x94x128xi32, #tpu.memory_space<hbm>>
      %dma_start3A_25 = tpu.memref_squeeze %dma_start3A_24 : memref<1x94x128xi32, #tpu.memory_space<hbm>> -> memref<94x128xi32, #tpu.memory_space<hbm>>
      tpu.enqueue_dma source(%dma_start3A_25 : memref<94x128xi32, #tpu.memory_space<hbm>>) target(%arg7 : memref<94x128xi32, #tpu.memory_space<vmem>>) target_semaphore(%run_scoped3A : memref<!tpu.dma_semaphore, #tpu.memory_space<semaphore_mem>>)
      %dma_wait3A = arith.constant 0 : i32
      %dma_wait3A_26 = arith.constant 0 : i32
      %dma_wait3A_27 = tpu.memref_slice %arg3[%add3A, %dma_wait3A, %dma_wait3A_26] : memref<32x94x128xi32, #tpu.memory_space<hbm>> -> memref<1x94x128xi32, #tpu.memory_space<hbm>>
      %dma_wait3A_28 = tpu.memref_squeeze %dma_wait3A_27 : memref<1x94x128xi32, #tpu.memory_space<hbm>> -> memref<94x128xi32, #tpu.memory_space<hbm>>
      %dma_wait3A_29 = arith.constant 0 : i32
      %dma_wait3A_30 = arith.constant 0 : i32
      %dma_wait3A_31 = tpu.memref_slice %arg3[%add3A, %dma_wait3A_29, %dma_wait3A_30] : memref<32x94x128xi32, #tpu.memory_space<hbm>> -> memref<1x94x128xi32, #tpu.memory_space<hbm>>
      %dma_wait3A_32 = tpu.memref_squeeze %dma_wait3A_31 : memref<1x94x128xi32, #tpu.memory_space<hbm>> -> memref<94x128xi32, #tpu.memory_space<hbm>>
      tpu.wait_dma2 semaphore(%run_scoped3A : memref<!tpu.dma_semaphore, #tpu.memory_space<semaphore_mem>>) src(%dma_wait3A_32 : memref<94x128xi32, #tpu.memory_space<hbm>>) dst(%arg7 : memref<94x128xi32, #tpu.memory_space<vmem>>)
      tpu.yield
    }) : () -> ()
    "tpu.region"() ({
      %run_scoped3A = tpu.sem_alloc : memref<!tpu.dma_semaphore, #tpu.memory_space<semaphore_mem>>
      %dma_start3A = arith.constant 0 : i32
      %dma_start3A_19 = arith.constant 0 : i32
      %dma_start3A_20 = tpu.memref_slice %arg4[%add3A, %dma_start3A, %dma_start3A_19] : memref<32x94x128xi32, #tpu.memory_space<hbm>> -> memref<1x94x128xi32, #tpu.memory_space<hbm>>
      %dma_start3A_21 = tpu.memref_squeeze %dma_start3A_20 : memref<1x94x128xi32, #tpu.memory_space<hbm>> -> memref<94x128xi32, #tpu.memory_space<hbm>>
      %dma_start3A_22 = arith.constant 0 : i32
      %dma_start3A_23 = arith.constant 0 : i32
      %dma_start3A_24 = tpu.memref_slice %arg4[%add3A, %dma_start3A_22, %dma_start3A_23] : memref<32x94x128xi32, #tpu.memory_space<hbm>> -> memref<1x94x128xi32, #tpu.memory_space<hbm>>
      %dma_start3A_25 = tpu.memref_squeeze %dma_start3A_24 : memref<1x94x128xi32, #tpu.memory_space<hbm>> -> memref<94x128xi32, #tpu.memory_space<hbm>>
      tpu.enqueue_dma source(%dma_start3A_25 : memref<94x128xi32, #tpu.memory_space<hbm>>) target(%arg8 : memref<94x128xi32, #tpu.memory_space<vmem>>) target_semaphore(%run_scoped3A : memref<!tpu.dma_semaphore, #tpu.memory_space<semaphore_mem>>)
      %dma_wait3A = arith.constant 0 : i32
      %dma_wait3A_26 = arith.constant 0 : i32
      %dma_wait3A_27 = tpu.memref_slice %arg4[%add3A, %dma_wait3A, %dma_wait3A_26] : memref<32x94x128xi32, #tpu.memory_space<hbm>> -> memref<1x94x128xi32, #tpu.memory_space<hbm>>
      %dma_wait3A_28 = tpu.memref_squeeze %dma_wait3A_27 : memref<1x94x128xi32, #tpu.memory_space<hbm>> -> memref<94x128xi32, #tpu.memory_space<hbm>>
      %dma_wait3A_29 = arith.constant 0 : i32
      %dma_wait3A_30 = arith.constant 0 : i32
      %dma_wait3A_31 = tpu.memref_slice %arg4[%add3A, %dma_wait3A_29, %dma_wait3A_30] : memref<32x94x128xi32, #tpu.memory_space<hbm>> -> memref<1x94x128xi32, #tpu.memory_space<hbm>>
      %dma_wait3A_32 = tpu.memref_squeeze %dma_wait3A_31 : memref<1x94x128xi32, #tpu.memory_space<hbm>> -> memref<94x128xi32, #tpu.memory_space<hbm>>
      tpu.wait_dma2 semaphore(%run_scoped3A : memref<!tpu.dma_semaphore, #tpu.memory_space<semaphore_mem>>) src(%dma_wait3A_32 : memref<94x128xi32, #tpu.memory_space<hbm>>) dst(%arg8 : memref<94x128xi32, #tpu.memory_space<vmem>>)
      tpu.yield
    }) : () -> ()
    %barrier3A = arith.constant 0 : index
    tpu.barrier barrier_id(%barrier3A)
    %while3A = arith.constant 0 : i32
    %while3A_5 = arith.constant 0 : i32
    %while3A_6 = arith.subi %select_n3A, %while3A_5 : i32
    %while3A_7 = arith.addi %while3A_5, %while3A_6 : i32
    %while3A_8 = arith.constant 1 : i32
    %while3A_9 = arith.divsi %while3A_6, %while3A_8 : i32
    %while3A_10 = arith.muli %while3A_9, %while3A_8 : i32
    %while3A_11 = arith.addi %while3A_5, %while3A_10 : i32
    %while3A_12 = arith.constant 1 : i32
    scf.for %while3A_19 = %while3A_5 to %while3A_11 step %while3A_12  : i32 {
      %dma_start3A = arith.constant 0 : i32
      %dma_start3A_20 = tpu.memref_slice %arg7[%while3A_19, %dma_start3A] : memref<94x128xi32, #tpu.memory_space<vmem>> -> memref<1x128xi32, #tpu.memory_space<vmem>>
      %dma_start3A_21 = tpu.memref_squeeze %dma_start3A_20 : memref<1x128xi32, #tpu.memory_space<vmem>> -> memref<128xi32, #tpu.memory_space<vmem>>
      %dma_start3A_22 = arith.constant 0 : i32
      %dma_start3A_23 = arith.constant 0 : i32
      %dma_start3A_24 = tpu.memref_slice %arg2[%dma_start3A_22, %dma_start3A_23] : memref<10000x128xf32, #tpu.memory_space<hbm>> -> memref<10000x128xf32, #tpu.memory_space<hbm>>
      tpu.enqueue_indirect_dma source(%dma_start3A_24 : memref<10000x128xf32, #tpu.memory_space<hbm>>) target(%arg9 : memref<128x128xf32, #tpu.memory_space<vmem>>) offsets(%dma_start3A_21 : memref<128xi32, #tpu.memory_space<vmem>>) semaphore(%arg11 : memref<!tpu.dma_semaphore, #tpu.memory_space<semaphore_mem>>)
      %dma_wait3A = arith.constant 0 : i32
      %dma_wait3A_25 = tpu.memref_slice %arg7[%while3A_19, %dma_wait3A] : memref<94x128xi32, #tpu.memory_space<vmem>> -> memref<1x128xi32, #tpu.memory_space<vmem>>
      %dma_wait3A_26 = tpu.memref_squeeze %dma_wait3A_25 : memref<1x128xi32, #tpu.memory_space<vmem>> -> memref<128xi32, #tpu.memory_space<vmem>>
      %dma_wait3A_27 = arith.constant 0 : i32
      %dma_wait3A_28 = arith.constant 0 : i32
      %dma_wait3A_29 = tpu.memref_slice %arg2[%dma_wait3A_27, %dma_wait3A_28] : memref<10000x128xf32, #tpu.memory_space<hbm>> -> memref<10000x128xf32, #tpu.memory_space<hbm>>
      tpu.wait_indirect_dma semaphore(%arg11 : memref<!tpu.dma_semaphore, #tpu.memory_space<semaphore_mem>>) src(%dma_wait3A_29 : memref<10000x128xf32, #tpu.memory_space<hbm>>) dst(%arg9 : memref<128x128xf32, #tpu.memory_space<vmem>>)
      "tpu.region"() ({
        %run_scoped3A = tpu.sem_alloc : memref<!tpu.dma_semaphore, #tpu.memory_space<semaphore_mem>>
        %dma_start3A_30 = arith.constant 0 : i32
        %dma_start3A_31 = tpu.memref_slice %arg8[%while3A_19, %dma_start3A_30] : memref<94x128xi32, #tpu.memory_space<vmem>> -> memref<1x128xi32, #tpu.memory_space<vmem>>
        %dma_start3A_32 = tpu.memref_squeeze %dma_start3A_31 : memref<1x128xi32, #tpu.memory_space<vmem>> -> memref<128xi32, #tpu.memory_space<vmem>>
        %dma_start3A_33 = arith.constant 0 : i32
        %dma_start3A_34 = arith.constant 0 : i32
        %dma_start3A_35 = tpu.memref_slice %arg10[%dma_start3A_33, %dma_start3A_34] : memref<10240x128xf32, #tpu.memory_space<vmem_shared>> -> memref<10240x128xf32, #tpu.memory_space<vmem_shared>>
        tpu.enqueue_indirect_dma source(%arg9 : memref<128x128xf32, #tpu.memory_space<vmem>>) target(%dma_start3A_35 : memref<10240x128xf32, #tpu.memory_space<vmem_shared>>) offsets(%dma_start3A_32 : memref<128xi32, #tpu.memory_space<vmem>>) semaphore(%run_scoped3A : memref<!tpu.dma_semaphore, #tpu.memory_space<semaphore_mem>>) {add = true}
        %dma_wait3A_36 = arith.constant 0 : i32
        %dma_wait3A_37 = tpu.memref_slice %arg8[%while3A_19, %dma_wait3A_36] : memref<94x128xi32, #tpu.memory_space<vmem>> -> memref<1x128xi32, #tpu.memory_space<vmem>>
        %dma_wait3A_38 = tpu.memref_squeeze %dma_wait3A_37 : memref<1x128xi32, #tpu.memory_space<vmem>> -> memref<128xi32, #tpu.memory_space<vmem>>
        %dma_wait3A_39 = arith.constant 0 : i32
        %dma_wait3A_40 = arith.constant 0 : i32
        %dma_wait3A_41 = tpu.memref_slice %arg10[%dma_wait3A_39, %dma_wait3A_40] : memref<10240x128xf32, #tpu.memory_space<vmem_shared>> -> memref<10240x128xf32, #tpu.memory_space<vmem_shared>>
        tpu.wait_indirect_dma semaphore(%run_scoped3A : memref<!tpu.dma_semaphore, #tpu.memory_space<semaphore_mem>>) src(%arg9 : memref<128x128xf32, #tpu.memory_space<vmem>>) dst(%dma_wait3A_41 : memref<10240x128xf32, #tpu.memory_space<vmem_shared>>)
        tpu.yield
      }) : () -> ()
    }
    %while3A_13 = arith.constant 1 : i32
    scf.for %while3A_19 = %while3A_11 to %while3A_7 step %while3A_13  : i32 {
      %dma_start3A = arith.constant 0 : i32
      %dma_start3A_20 = tpu.memref_slice %arg7[%while3A_19, %dma_start3A] : memref<94x128xi32, #tpu.memory_space<vmem>> -> memref<1x128xi32, #tpu.memory_space<vmem>>
      %dma_start3A_21 = tpu.memref_squeeze %dma_start3A_20 : memref<1x128xi32, #tpu.memory_space<vmem>> -> memref<128xi32, #tpu.memory_space<vmem>>
      %dma_start3A_22 = arith.constant 0 : i32
      %dma_start3A_23 = arith.constant 0 : i32
      %dma_start3A_24 = tpu.memref_slice %arg2[%dma_start3A_22, %dma_start3A_23] : memref<10000x128xf32, #tpu.memory_space<hbm>> -> memref<10000x128xf32, #tpu.memory_space<hbm>>
      tpu.enqueue_indirect_dma source(%dma_start3A_24 : memref<10000x128xf32, #tpu.memory_space<hbm>>) target(%arg9 : memref<128x128xf32, #tpu.memory_space<vmem>>) offsets(%dma_start3A_21 : memref<128xi32, #tpu.memory_space<vmem>>) semaphore(%arg11 : memref<!tpu.dma_semaphore, #tpu.memory_space<semaphore_mem>>)
      %dma_wait3A = arith.constant 0 : i32
      %dma_wait3A_25 = tpu.memref_slice %arg7[%while3A_19, %dma_wait3A] : memref<94x128xi32, #tpu.memory_space<vmem>> -> memref<1x128xi32, #tpu.memory_space<vmem>>
      %dma_wait3A_26 = tpu.memref_squeeze %dma_wait3A_25 : memref<1x128xi32, #tpu.memory_space<vmem>> -> memref<128xi32, #tpu.memory_space<vmem>>
      %dma_wait3A_27 = arith.constant 0 : i32
      %dma_wait3A_28 = arith.constant 0 : i32
      %dma_wait3A_29 = tpu.memref_slice %arg2[%dma_wait3A_27, %dma_wait3A_28] : memref<10000x128xf32, #tpu.memory_space<hbm>> -> memref<10000x128xf32, #tpu.memory_space<hbm>>
      tpu.wait_indirect_dma semaphore(%arg11 : memref<!tpu.dma_semaphore, #tpu.memory_space<semaphore_mem>>) src(%dma_wait3A_29 : memref<10000x128xf32, #tpu.memory_space<hbm>>) dst(%arg9 : memref<128x128xf32, #tpu.memory_space<vmem>>)
      "tpu.region"() ({
        %run_scoped3A = tpu.sem_alloc : memref<!tpu.dma_semaphore, #tpu.memory_space<semaphore_mem>>
        %dma_start3A_30 = arith.constant 0 : i32
        %dma_start3A_31 = tpu.memref_slice %arg8[%while3A_19, %dma_start3A_30] : memref<94x128xi32, #tpu.memory_space<vmem>> -> memref<1x128xi32, #tpu.memory_space<vmem>>
        %dma_start3A_32 = tpu.memref_squeeze %dma_start3A_31 : memref<1x128xi32, #tpu.memory_space<vmem>> -> memref<128xi32, #tpu.memory_space<vmem>>
        %dma_start3A_33 = arith.constant 0 : i32
        %dma_start3A_34 = arith.constant 0 : i32
        %dma_start3A_35 = tpu.memref_slice %arg10[%dma_start3A_33, %dma_start3A_34] : memref<10240x128xf32, #tpu.memory_space<vmem_shared>> -> memref<10240x128xf32, #tpu.memory_space<vmem_shared>>
        tpu.enqueue_indirect_dma source(%arg9 : memref<128x128xf32, #tpu.memory_space<vmem>>) target(%dma_start3A_35 : memref<10240x128xf32, #tpu.memory_space<vmem_shared>>) offsets(%dma_start3A_32 : memref<128xi32, #tpu.memory_space<vmem>>) semaphore(%run_scoped3A : memref<!tpu.dma_semaphore, #tpu.memory_space<semaphore_mem>>) {add = true}
        %dma_wait3A_36 = arith.constant 0 : i32
        %dma_wait3A_37 = tpu.memref_slice %arg8[%while3A_19, %dma_wait3A_36] : memref<94x128xi32, #tpu.memory_space<vmem>> -> memref<1x128xi32, #tpu.memory_space<vmem>>
        %dma_wait3A_38 = tpu.memref_squeeze %dma_wait3A_37 : memref<1x128xi32, #tpu.memory_space<vmem>> -> memref<128xi32, #tpu.memory_space<vmem>>
        %dma_wait3A_39 = arith.constant 0 : i32
        %dma_wait3A_40 = arith.constant 0 : i32
        %dma_wait3A_41 = tpu.memref_slice %arg10[%dma_wait3A_39, %dma_wait3A_40] : memref<10240x128xf32, #tpu.memory_space<vmem_shared>> -> memref<10240x128xf32, #tpu.memory_space<vmem_shared>>
        tpu.wait_indirect_dma semaphore(%run_scoped3A : memref<!tpu.dma_semaphore, #tpu.memory_space<semaphore_mem>>) src(%arg9 : memref<128x128xf32, #tpu.memory_space<vmem>>) dst(%dma_wait3A_41 : memref<10240x128xf32, #tpu.memory_space<vmem_shared>>)
        tpu.yield
      }) : () -> ()
    }
    %barrier3A_14 = arith.constant 0 : index
    tpu.barrier barrier_id(%barrier3A_14)
    %mul3A_15 = arith.constant 640 : i32
    %mul3A_16 = arith.muli %arg1, %mul3A_15 : i32
    %mul3A_17 = arith.constant 640 : i32
    %mul3A_18 = arith.muli %arg1, %mul3A_17 : i32
    "tpu.region"() ({
      %run_scoped3A = tpu.sem_alloc : memref<!tpu.dma_semaphore, #tpu.memory_space<semaphore_mem>>
      %dma_start3A = arith.constant 0 : i32
      %dma_start3A_19 = tpu.memref_slice %arg6[%arg0, %mul3A_18, %dma_start3A] : memref<2x10240x128xf32, #tpu.memory_space<hbm>> -> memref<1x640x128xf32, #tpu.memory_space<hbm>>
      %dma_start3A_20 = tpu.memref_squeeze %dma_start3A_19 : memref<1x640x128xf32, #tpu.memory_space<hbm>> -> memref<640x128xf32, #tpu.memory_space<hbm>>
      %dma_start3A_21 = arith.constant 0 : i32
      %dma_start3A_22 = tpu.memref_slice %arg10[%mul3A_16, %dma_start3A_21] : memref<10240x128xf32, #tpu.memory_space<vmem_shared>> -> memref<640x128xf32, #tpu.memory_space<vmem_shared>>
      tpu.enqueue_dma source(%dma_start3A_22 : memref<640x128xf32, #tpu.memory_space<vmem_shared>>) target(%dma_start3A_20 : memref<640x128xf32, #tpu.memory_space<hbm>>) target_semaphore(%run_scoped3A : memref<!tpu.dma_semaphore, #tpu.memory_space<semaphore_mem>>)
      %dma_wait3A = arith.constant 0 : i32
      %dma_wait3A_23 = tpu.memref_slice %arg6[%arg0, %mul3A_18, %dma_wait3A] : memref<2x10240x128xf32, #tpu.memory_space<hbm>> -> memref<1x640x128xf32, #tpu.memory_space<hbm>>
      %dma_wait3A_24 = tpu.memref_squeeze %dma_wait3A_23 : memref<1x640x128xf32, #tpu.memory_space<hbm>> -> memref<640x128xf32, #tpu.memory_space<hbm>>
      %dma_wait3A_25 = arith.constant 0 : i32
      %dma_wait3A_26 = tpu.memref_slice %arg10[%mul3A_16, %dma_wait3A_25] : memref<10240x128xf32, #tpu.memory_space<vmem_shared>> -> memref<640x128xf32, #tpu.memory_space<vmem_shared>>
      tpu.wait_dma2 semaphore(%run_scoped3A : memref<!tpu.dma_semaphore, #tpu.memory_space<semaphore_mem>>) src(%dma_wait3A_26 : memref<640x128xf32, #tpu.memory_space<vmem_shared>>) dst(%dma_wait3A_24 : memref<640x128xf32, #tpu.memory_space<hbm>>)
      tpu.yield
    }) : () -> ()
    return
  }
}

#map = affine_map<(d0, d1) -> (0, 0)>
#map1 = affine_map<(d0, d1) -> (0, 0, 0)>
module attributes {stable_mosaic.version = 14 : i64} {
  func.func @_sc_segment_sum(%arg0: i32, %arg1: i32, %arg2: memref<10000x128xf32, #tpu.memory_space<hbm>>, %arg3: memref<32x94x128xi32, #tpu.memory_space<hbm>>, %arg4: memref<32x94x128xi32, #tpu.memory_space<hbm>>, %arg5: memref<640x128xf32, #tpu.memory_space<hbm>>, %arg6: memref<2x10240x128xf32, #tpu.memory_space<hbm>>, %arg7: memref<94x128xi32, #tpu.memory_space<vmem>>, %arg8: memref<94x128xi32, #tpu.memory_space<vmem>>, %arg9: memref<128x128xf32, #tpu.memory_space<vmem>>, %arg10: memref<10240x128xf32, #tpu.memory_space<vmem_shared>>, %arg11: memref<!tpu.dma_semaphore, #tpu.memory_space<semaphore_mem>>) attributes {dimension_semantics = [#tpu.dimension_semantics<core_parallel>, #tpu.dimension_semantics<subcore_parallel>], iteration_bounds = array<i64: 2, 16>, scalar_prefetch = 0 : i64, scratch_operands = 5 : i64, tpu.core_type = #tpu.core_type<sc_vector_subcore>, window_params = [{transform_indices = #map}, {transform_indices = #map1}, {transform_indices = #map1}, {transform_indices = #map}, {transform_indices = #map1}]} {
    %mul3A = arith.constant 16 : i32
    %mul3A_0 = arith.muli %arg0, %mul3A : i32
    %add3A = arith.addi %mul3A_0, %arg1 : i32
    %eq3A = arith.constant 0 : i32
    %eq3A_1 = arith.cmpi eq, %arg0, %eq3A : i32
    %jit3A = arith.constant 94 : i32
    %jit3A_2 = arith.constant 63 : i32
    %select_n3A = arith.select %eq3A_1, %jit3A, %jit3A_2 : i32
    %mul3A_3 = arith.constant 640 : i32
    %mul3A_4 = arith.muli %arg1, %mul3A_3 : i32
    "tpu.region"() ({
      %run_scoped3A = tpu.sem_alloc : memref<!tpu.dma_semaphore, #tpu.memory_space<semaphore_mem>>
      %dma_start3A = arith.constant 0 : i32
      %dma_start3A_19 = tpu.memref_slice %arg10[%mul3A_4, %dma_start3A] : memref<10240x128xf32, #tpu.memory_space<vmem_shared>> -> memref<640x128xf32, #tpu.memory_space<vmem_shared>>
      tpu.enqueue_dma source(%arg5 : memref<640x128xf32, #tpu.memory_space<hbm>>) target(%dma_start3A_19 : memref<640x128xf32, #tpu.memory_space<vmem_shared>>) target_semaphore(%run_scoped3A : memref<!tpu.dma_semaphore, #tpu.memory_space<semaphore_mem>>)
      %dma_wait3A = arith.constant 0 : i32
      %dma_wait3A_20 = tpu.memref_slice %arg10[%mul3A_4, %dma_wait3A] : memref<10240x128xf32, #tpu.memory_space<vmem_shared>> -> memref<640x128xf32, #tpu.memory_space<vmem_shared>>
      tpu.wait_dma2 semaphore(%run_scoped3A : memref<!tpu.dma_semaphore, #tpu.memory_space<semaphore_mem>>) src(%arg5 : memref<640x128xf32, #tpu.memory_space<hbm>>) dst(%dma_wait3A_20 : memref<640x128xf32, #tpu.memory_space<vmem_shared>>)
      tpu.yield
    }) : () -> ()
    "tpu.region"() ({
      %run_scoped3A = tpu.sem_alloc : memref<!tpu.dma_semaphore, #tpu.memory_space<semaphore_mem>>
      %dma_start3A = arith.constant 0 : i32
      %dma_start3A_19 = arith.constant 0 : i32
      %dma_start3A_20 = tpu.memref_slice %arg3[%add3A, %dma_start3A, %dma_start3A_19] : memref<32x94x128xi32, #tpu.memory_space<hbm>> -> memref<1x94x128xi32, #tpu.memory_space<hbm>>
      %dma_start3A_21 = tpu.memref_squeeze %dma_start3A_20 : memref<1x94x128xi32, #tpu.memory_space<hbm>> -> memref<94x128xi32, #tpu.memory_space<hbm>>
      %dma_start3A_22 = arith.constant 0 : i32
      %dma_start3A_23 = arith.constant 0 : i32
      %dma_start3A_24 = tpu.memref_slice %arg3[%add3A, %dma_start3A_22, %dma_start3A_23] : memref<32x94x128xi32, #tpu.memory_space<hbm>> -> memref<1x94x128xi32, #tpu.memory_space<hbm>>
      %dma_start3A_25 = tpu.memref_squeeze %dma_start3A_24 : memref<1x94x128xi32, #tpu.memory_space<hbm>> -> memref<94x128xi32, #tpu.memory_space<hbm>>
      tpu.enqueue_dma source(%dma_start3A_25 : memref<94x128xi32, #tpu.memory_space<hbm>>) target(%arg7 : memref<94x128xi32, #tpu.memory_space<vmem>>) target_semaphore(%run_scoped3A : memref<!tpu.dma_semaphore, #tpu.memory_space<semaphore_mem>>)
      %dma_wait3A = arith.constant 0 : i32
      %dma_wait3A_26 = arith.constant 0 : i32
      %dma_wait3A_27 = tpu.memref_slice %arg3[%add3A, %dma_wait3A, %dma_wait3A_26] : memref<32x94x128xi32, #tpu.memory_space<hbm>> -> memref<1x94x128xi32, #tpu.memory_space<hbm>>
      %dma_wait3A_28 = tpu.memref_squeeze %dma_wait3A_27 : memref<1x94x128xi32, #tpu.memory_space<hbm>> -> memref<94x128xi32, #tpu.memory_space<hbm>>
      %dma_wait3A_29 = arith.constant 0 : i32
      %dma_wait3A_30 = arith.constant 0 : i32
      %dma_wait3A_31 = tpu.memref_slice %arg3[%add3A, %dma_wait3A_29, %dma_wait3A_30] : memref<32x94x128xi32, #tpu.memory_space<hbm>> -> memref<1x94x128xi32, #tpu.memory_space<hbm>>
      %dma_wait3A_32 = tpu.memref_squeeze %dma_wait3A_31 : memref<1x94x128xi32, #tpu.memory_space<hbm>> -> memref<94x128xi32, #tpu.memory_space<hbm>>
      tpu.wait_dma2 semaphore(%run_scoped3A : memref<!tpu.dma_semaphore, #tpu.memory_space<semaphore_mem>>) src(%dma_wait3A_32 : memref<94x128xi32, #tpu.memory_space<hbm>>) dst(%arg7 : memref<94x128xi32, #tpu.memory_space<vmem>>)
      tpu.yield
    }) : () -> ()
    "tpu.region"() ({
      %run_scoped3A = tpu.sem_alloc : memref<!tpu.dma_semaphore, #tpu.memory_space<semaphore_mem>>
      %dma_start3A = arith.constant 0 : i32
      %dma_start3A_19 = arith.constant 0 : i32
      %dma_start3A_20 = tpu.memref_slice %arg4[%add3A, %dma_start3A, %dma_start3A_19] : memref<32x94x128xi32, #tpu.memory_space<hbm>> -> memref<1x94x128xi32, #tpu.memory_space<hbm>>
      %dma_start3A_21 = tpu.memref_squeeze %dma_start3A_20 : memref<1x94x128xi32, #tpu.memory_space<hbm>> -> memref<94x128xi32, #tpu.memory_space<hbm>>
      %dma_start3A_22 = arith.constant 0 : i32
      %dma_start3A_23 = arith.constant 0 : i32
      %dma_start3A_24 = tpu.memref_slice %arg4[%add3A, %dma_start3A_22, %dma_start3A_23] : memref<32x94x128xi32, #tpu.memory_space<hbm>> -> memref<1x94x128xi32, #tpu.memory_space<hbm>>
      %dma_start3A_25 = tpu.memref_squeeze %dma_start3A_24 : memref<1x94x128xi32, #tpu.memory_space<hbm>> -> memref<94x128xi32, #tpu.memory_space<hbm>>
      tpu.enqueue_dma source(%dma_start3A_25 : memref<94x128xi32, #tpu.memory_space<hbm>>) target(%arg8 : memref<94x128xi32, #tpu.memory_space<vmem>>) target_semaphore(%run_scoped3A : memref<!tpu.dma_semaphore, #tpu.memory_space<semaphore_mem>>)
      %dma_wait3A = arith.constant 0 : i32
      %dma_wait3A_26 = arith.constant 0 : i32
      %dma_wait3A_27 = tpu.memref_slice %arg4[%add3A, %dma_wait3A, %dma_wait3A_26] : memref<32x94x128xi32, #tpu.memory_space<hbm>> -> memref<1x94x128xi32, #tpu.memory_space<hbm>>
      %dma_wait3A_28 = tpu.memref_squeeze %dma_wait3A_27 : memref<1x94x128xi32, #tpu.memory_space<hbm>> -> memref<94x128xi32, #tpu.memory_space<hbm>>
      %dma_wait3A_29 = arith.constant 0 : i32
      %dma_wait3A_30 = arith.constant 0 : i32
      %dma_wait3A_31 = tpu.memref_slice %arg4[%add3A, %dma_wait3A_29, %dma_wait3A_30] : memref<32x94x128xi32, #tpu.memory_space<hbm>> -> memref<1x94x128xi32, #tpu.memory_space<hbm>>
      %dma_wait3A_32 = tpu.memref_squeeze %dma_wait3A_31 : memref<1x94x128xi32, #tpu.memory_space<hbm>> -> memref<94x128xi32, #tpu.memory_space<hbm>>
      tpu.wait_dma2 semaphore(%run_scoped3A : memref<!tpu.dma_semaphore, #tpu.memory_space<semaphore_mem>>) src(%dma_wait3A_32 : memref<94x128xi32, #tpu.memory_space<hbm>>) dst(%arg8 : memref<94x128xi32, #tpu.memory_space<vmem>>)
      tpu.yield
    }) : () -> ()
    %barrier3A = arith.constant 0 : index
    tpu.barrier barrier_id(%barrier3A)
    %while3A = arith.constant 0 : i32
    %while3A_5 = arith.constant 0 : i32
    %while3A_6 = arith.subi %select_n3A, %while3A_5 : i32
    %while3A_7 = arith.addi %while3A_5, %while3A_6 : i32
    %while3A_8 = arith.constant 1 : i32
    %while3A_9 = arith.divsi %while3A_6, %while3A_8 : i32
    %while3A_10 = arith.muli %while3A_9, %while3A_8 : i32
    %while3A_11 = arith.addi %while3A_5, %while3A_10 : i32
    %while3A_12 = arith.constant 1 : i32
    scf.for %while3A_19 = %while3A_5 to %while3A_11 step %while3A_12  : i32 {
      %dma_start3A = arith.constant 0 : i32
      %dma_start3A_20 = tpu.memref_slice %arg7[%while3A_19, %dma_start3A] : memref<94x128xi32, #tpu.memory_space<vmem>> -> memref<1x128xi32, #tpu.memory_space<vmem>>
      %dma_start3A_21 = tpu.memref_squeeze %dma_start3A_20 : memref<1x128xi32, #tpu.memory_space<vmem>> -> memref<128xi32, #tpu.memory_space<vmem>>
      %dma_start3A_22 = arith.constant 0 : i32
      %dma_start3A_23 = arith.constant 0 : i32
      %dma_start3A_24 = tpu.memref_slice %arg2[%dma_start3A_22, %dma_start3A_23] : memref<10000x128xf32, #tpu.memory_space<hbm>> -> memref<10000x128xf32, #tpu.memory_space<hbm>>
      tpu.enqueue_indirect_dma source(%dma_start3A_24 : memref<10000x128xf32, #tpu.memory_space<hbm>>) target(%arg9 : memref<128x128xf32, #tpu.memory_space<vmem>>) offsets(%dma_start3A_21 : memref<128xi32, #tpu.memory_space<vmem>>) semaphore(%arg11 : memref<!tpu.dma_semaphore, #tpu.memory_space<semaphore_mem>>)
      %dma_wait3A = arith.constant 0 : i32
      %dma_wait3A_25 = tpu.memref_slice %arg7[%while3A_19, %dma_wait3A] : memref<94x128xi32, #tpu.memory_space<vmem>> -> memref<1x128xi32, #tpu.memory_space<vmem>>
      %dma_wait3A_26 = tpu.memref_squeeze %dma_wait3A_25 : memref<1x128xi32, #tpu.memory_space<vmem>> -> memref<128xi32, #tpu.memory_space<vmem>>
      %dma_wait3A_27 = arith.constant 0 : i32
      %dma_wait3A_28 = arith.constant 0 : i32
      %dma_wait3A_29 = tpu.memref_slice %arg2[%dma_wait3A_27, %dma_wait3A_28] : memref<10000x128xf32, #tpu.memory_space<hbm>> -> memref<10000x128xf32, #tpu.memory_space<hbm>>
      tpu.wait_indirect_dma semaphore(%arg11 : memref<!tpu.dma_semaphore, #tpu.memory_space<semaphore_mem>>) src(%dma_wait3A_29 : memref<10000x128xf32, #tpu.memory_space<hbm>>) dst(%arg9 : memref<128x128xf32, #tpu.memory_space<vmem>>)
      "tpu.region"() ({
        %run_scoped3A = tpu.sem_alloc : memref<!tpu.dma_semaphore, #tpu.memory_space<semaphore_mem>>
        %dma_start3A_30 = arith.constant 0 : i32
        %dma_start3A_31 = tpu.memref_slice %arg8[%while3A_19, %dma_start3A_30] : memref<94x128xi32, #tpu.memory_space<vmem>> -> memref<1x128xi32, #tpu.memory_space<vmem>>
        %dma_start3A_32 = tpu.memref_squeeze %dma_start3A_31 : memref<1x128xi32, #tpu.memory_space<vmem>> -> memref<128xi32, #tpu.memory_space<vmem>>
        %dma_start3A_33 = arith.constant 0 : i32
        %dma_start3A_34 = arith.constant 0 : i32
        %dma_start3A_35 = tpu.memref_slice %arg10[%dma_start3A_33, %dma_start3A_34] : memref<10240x128xf32, #tpu.memory_space<vmem_shared>> -> memref<10240x128xf32, #tpu.memory_space<vmem_shared>>
        tpu.enqueue_indirect_dma source(%arg9 : memref<128x128xf32, #tpu.memory_space<vmem>>) target(%dma_start3A_35 : memref<10240x128xf32, #tpu.memory_space<vmem_shared>>) offsets(%dma_start3A_32 : memref<128xi32, #tpu.memory_space<vmem>>) semaphore(%run_scoped3A : memref<!tpu.dma_semaphore, #tpu.memory_space<semaphore_mem>>) {add = true}
        %dma_wait3A_36 = arith.constant 0 : i32
        %dma_wait3A_37 = tpu.memref_slice %arg8[%while3A_19, %dma_wait3A_36] : memref<94x128xi32, #tpu.memory_space<vmem>> -> memref<1x128xi32, #tpu.memory_space<vmem>>
        %dma_wait3A_38 = tpu.memref_squeeze %dma_wait3A_37 : memref<1x128xi32, #tpu.memory_space<vmem>> -> memref<128xi32, #tpu.memory_space<vmem>>
        %dma_wait3A_39 = arith.constant 0 : i32
        %dma_wait3A_40 = arith.constant 0 : i32
        %dma_wait3A_41 = tpu.memref_slice %arg10[%dma_wait3A_39, %dma_wait3A_40] : memref<10240x128xf32, #tpu.memory_space<vmem_shared>> -> memref<10240x128xf32, #tpu.memory_space<vmem_shared>>
        tpu.wait_indirect_dma semaphore(%run_scoped3A : memref<!tpu.dma_semaphore, #tpu.memory_space<semaphore_mem>>) src(%arg9 : memref<128x128xf32, #tpu.memory_space<vmem>>) dst(%dma_wait3A_41 : memref<10240x128xf32, #tpu.memory_space<vmem_shared>>)
        tpu.yield
      }) : () -> ()
    }
    %while3A_13 = arith.constant 1 : i32
    scf.for %while3A_19 = %while3A_11 to %while3A_7 step %while3A_13  : i32 {
      %dma_start3A = arith.constant 0 : i32
      %dma_start3A_20 = tpu.memref_slice %arg7[%while3A_19, %dma_start3A] : memref<94x128xi32, #tpu.memory_space<vmem>> -> memref<1x128xi32, #tpu.memory_space<vmem>>
      %dma_start3A_21 = tpu.memref_squeeze %dma_start3A_20 : memref<1x128xi32, #tpu.memory_space<vmem>> -> memref<128xi32, #tpu.memory_space<vmem>>
      %dma_start3A_22 = arith.constant 0 : i32
      %dma_start3A_23 = arith.constant 0 : i32
      %dma_start3A_24 = tpu.memref_slice %arg2[%dma_start3A_22, %dma_start3A_23] : memref<10000x128xf32, #tpu.memory_space<hbm>> -> memref<10000x128xf32, #tpu.memory_space<hbm>>
      tpu.enqueue_indirect_dma source(%dma_start3A_24 : memref<10000x128xf32, #tpu.memory_space<hbm>>) target(%arg9 : memref<128x128xf32, #tpu.memory_space<vmem>>) offsets(%dma_start3A_21 : memref<128xi32, #tpu.memory_space<vmem>>) semaphore(%arg11 : memref<!tpu.dma_semaphore, #tpu.memory_space<semaphore_mem>>)
      %dma_wait3A = arith.constant 0 : i32
      %dma_wait3A_25 = tpu.memref_slice %arg7[%while3A_19, %dma_wait3A] : memref<94x128xi32, #tpu.memory_space<vmem>> -> memref<1x128xi32, #tpu.memory_space<vmem>>
      %dma_wait3A_26 = tpu.memref_squeeze %dma_wait3A_25 : memref<1x128xi32, #tpu.memory_space<vmem>> -> memref<128xi32, #tpu.memory_space<vmem>>
      %dma_wait3A_27 = arith.constant 0 : i32
      %dma_wait3A_28 = arith.constant 0 : i32
      %dma_wait3A_29 = tpu.memref_slice %arg2[%dma_wait3A_27, %dma_wait3A_28] : memref<10000x128xf32, #tpu.memory_space<hbm>> -> memref<10000x128xf32, #tpu.memory_space<hbm>>
      tpu.wait_indirect_dma semaphore(%arg11 : memref<!tpu.dma_semaphore, #tpu.memory_space<semaphore_mem>>) src(%dma_wait3A_29 : memref<10000x128xf32, #tpu.memory_space<hbm>>) dst(%arg9 : memref<128x128xf32, #tpu.memory_space<vmem>>)
      "tpu.region"() ({
        %run_scoped3A = tpu.sem_alloc : memref<!tpu.dma_semaphore, #tpu.memory_space<semaphore_mem>>
        %dma_start3A_30 = arith.constant 0 : i32
        %dma_start3A_31 = tpu.memref_slice %arg8[%while3A_19, %dma_start3A_30] : memref<94x128xi32, #tpu.memory_space<vmem>> -> memref<1x128xi32, #tpu.memory_space<vmem>>
        %dma_start3A_32 = tpu.memref_squeeze %dma_start3A_31 : memref<1x128xi32, #tpu.memory_space<vmem>> -> memref<128xi32, #tpu.memory_space<vmem>>
        %dma_start3A_33 = arith.constant 0 : i32
        %dma_start3A_34 = arith.constant 0 : i32
        %dma_start3A_35 = tpu.memref_slice %arg10[%dma_start3A_33, %dma_start3A_34] : memref<10240x128xf32, #tpu.memory_space<vmem_shared>> -> memref<10240x128xf32, #tpu.memory_space<vmem_shared>>
        tpu.enqueue_indirect_dma source(%arg9 : memref<128x128xf32, #tpu.memory_space<vmem>>) target(%dma_start3A_35 : memref<10240x128xf32, #tpu.memory_space<vmem_shared>>) offsets(%dma_start3A_32 : memref<128xi32, #tpu.memory_space<vmem>>) semaphore(%run_scoped3A : memref<!tpu.dma_semaphore, #tpu.memory_space<semaphore_mem>>) {add = true}
        %dma_wait3A_36 = arith.constant 0 : i32
        %dma_wait3A_37 = tpu.memref_slice %arg8[%while3A_19, %dma_wait3A_36] : memref<94x128xi32, #tpu.memory_space<vmem>> -> memref<1x128xi32, #tpu.memory_space<vmem>>
        %dma_wait3A_38 = tpu.memref_squeeze %dma_wait3A_37 : memref<1x128xi32, #tpu.memory_space<vmem>> -> memref<128xi32, #tpu.memory_space<vmem>>
        %dma_wait3A_39 = arith.constant 0 : i32
        %dma_wait3A_40 = arith.constant 0 : i32
        %dma_wait3A_41 = tpu.memref_slice %arg10[%dma_wait3A_39, %dma_wait3A_40] : memref<10240x128xf32, #tpu.memory_space<vmem_shared>> -> memref<10240x128xf32, #tpu.memory_space<vmem_shared>>
        tpu.wait_indirect_dma semaphore(%run_scoped3A : memref<!tpu.dma_semaphore, #tpu.memory_space<semaphore_mem>>) src(%arg9 : memref<128x128xf32, #tpu.memory_space<vmem>>) dst(%dma_wait3A_41 : memref<10240x128xf32, #tpu.memory_space<vmem_shared>>)
        tpu.yield
      }) : () -> ()
    }
    %barrier3A_14 = arith.constant 0 : index
    tpu.barrier barrier_id(%barrier3A_14)
    %mul3A_15 = arith.constant 640 : i32
    %mul3A_16 = arith.muli %arg1, %mul3A_15 : i32
    %mul3A_17 = arith.constant 640 : i32
    %mul3A_18 = arith.muli %arg1, %mul3A_17 : i32
    "tpu.region"() ({
      %run_scoped3A = tpu.sem_alloc : memref<!tpu.dma_semaphore, #tpu.memory_space<semaphore_mem>>
      %dma_start3A = arith.constant 0 : i32
      %dma_start3A_19 = tpu.memref_slice %arg6[%arg0, %mul3A_18, %dma_start3A] : memref<2x10240x128xf32, #tpu.memory_space<hbm>> -> memref<1x640x128xf32, #tpu.memory_space<hbm>>
      %dma_start3A_20 = tpu.memref_squeeze %dma_start3A_19 : memref<1x640x128xf32, #tpu.memory_space<hbm>> -> memref<640x128xf32, #tpu.memory_space<hbm>>
      %dma_start3A_21 = arith.constant 0 : i32
      %dma_start3A_22 = tpu.memref_slice %arg10[%mul3A_16, %dma_start3A_21] : memref<10240x128xf32, #tpu.memory_space<vmem_shared>> -> memref<640x128xf32, #tpu.memory_space<vmem_shared>>
      tpu.enqueue_dma source(%dma_start3A_22 : memref<640x128xf32, #tpu.memory_space<vmem_shared>>) target(%dma_start3A_20 : memref<640x128xf32, #tpu.memory_space<hbm>>) target_semaphore(%run_scoped3A : memref<!tpu.dma_semaphore, #tpu.memory_space<semaphore_mem>>)
      %dma_wait3A = arith.constant 0 : i32
      %dma_wait3A_23 = tpu.memref_slice %arg6[%arg0, %mul3A_18, %dma_wait3A] : memref<2x10240x128xf32, #tpu.memory_space<hbm>> -> memref<1x640x128xf32, #tpu.memory_space<hbm>>
      %dma_wait3A_24 = tpu.memref_squeeze %dma_wait3A_23 : memref<1x640x128xf32, #tpu.memory_space<hbm>> -> memref<640x128xf32, #tpu.memory_space<hbm>>
      %dma_wait3A_25 = arith.constant 0 : i32
      %dma_wait3A_26 = tpu.memref_slice %arg10[%mul3A_16, %dma_wait3A_25] : memref<10240x128xf32, #tpu.memory_space<vmem_shared>> -> memref<640x128xf32, #tpu.memory_space<vmem_shared>>
      tpu.wait_dma2 semaphore(%run_scoped3A : memref<!tpu.dma_semaphore, #tpu.memory_space<semaphore_mem>>) src(%dma_wait3A_26 : memref<640x128xf32, #tpu.memory_space<vmem_shared>>) dst(%dma_wait3A_24 : memref<640x128xf32, #tpu.memory_space<hbm>>)
      tpu.yield
    }) : () -> ()
    return
  }
}

module attributes {stable_mosaic.version = 14 : i64} {
  func.func @_dense_body(%arg0: i32, %arg1: memref<2x1000x128xf32, #tpu.memory_space<vmem>>, %arg2: memref<1000x128xf32, #tpu.memory_space<vmem>>, %arg3: memref<128x128xf32, #tpu.memory_space<vmem>>, %arg4: memref<128x128xf32, #tpu.memory_space<vmem>>, %arg5: memref<1x128xf32, #tpu.memory_space<vmem>>, %arg6: memref<1000x128xf32, #tpu.memory_space<vmem>>) attributes {dimension_semantics = [#tpu.dimension_semantics<arbitrary>], iteration_bounds = array<i64: 10>, scalar_prefetch = 0 : i64, scratch_operands = 0 : i64, tpu.core_type = #tpu.core_type<tc>, window_params = [{transform_indices = @transform_0, window_bounds = array<i64: 2, 1000, 128>}, {transform_indices = @transform_1, window_bounds = array<i64: 1000, 128>}, {pipeline_mode = #tpu.pipeline_mode<synchronous>, transform_indices = @transform_2, window_bounds = array<i64: 128, 128>}, {pipeline_mode = #tpu.pipeline_mode<synchronous>, transform_indices = @transform_3, window_bounds = array<i64: 128, 128>}, {pipeline_mode = #tpu.pipeline_mode<synchronous>, transform_indices = @transform_4, window_bounds = array<i64: 1, 128>}, {transform_indices = @transform_5, window_bounds = array<i64: 1000, 128>}]} {
    %get3A = arith.constant 0 : index
    %get3A_0 = arith.constant 0 : index
    %get3A_1 = arith.constant 0 : index
    %get3A_2 = vector.load %arg1[%get3A, %get3A_0, %get3A_1] : memref<2x1000x128xf32, #tpu.memory_space<vmem>>, vector<1x1000x128xf32>
    %get3A_3 = vector.shape_cast %get3A_2 : vector<1x1000x128xf32> to vector<1000x128xf32>
    %get3A_4 = arith.constant 1 : index
    %get3A_5 = arith.constant 0 : index
    %get3A_6 = arith.constant 0 : index
    %get3A_7 = vector.load %arg1[%get3A_4, %get3A_5, %get3A_6] : memref<2x1000x128xf32, #tpu.memory_space<vmem>>, vector<1x1000x128xf32>
    %get3A_8 = vector.shape_cast %get3A_7 : vector<1x1000x128xf32> to vector<1000x128xf32>
    %add3A = arith.addf %get3A_3, %get3A_8 : vector<1000x128xf32>
    %get3A_9 = arith.constant 0 : index
    %get3A_10 = arith.constant 0 : index
    %get3A_11 = vector.load %arg3[%get3A_9, %get3A_10] : memref<128x128xf32, #tpu.memory_space<vmem>>, vector<128x128xf32>
    %dot_general3A = arith.constant dense<0.000000e+00> : vector<1000x128xf32>
    %dot_general3A_12 = tpu.matmul %add3A, %get3A_11, %dot_general3A {dimension_numbers = #tpu.dot_dimension_numbers<[1], [1], [0], [0], [0, 0, 1, 0], [], []>, transpose_lhs_hint = false} : vector<1000x128xf32>, vector<128x128xf32>, vector<1000x128xf32> -> vector<1000x128xf32>
    %get3A_13 = arith.constant 0 : index
    %get3A_14 = arith.constant 0 : index
    %get3A_15 = vector.load %arg2[%get3A_13, %get3A_14] : memref<1000x128xf32, #tpu.memory_space<vmem>>, vector<1000x128xf32>
    %get3A_16 = arith.constant 0 : index
    %get3A_17 = arith.constant 0 : index
    %get3A_18 = vector.load %arg4[%get3A_16, %get3A_17] : memref<128x128xf32, #tpu.memory_space<vmem>>, vector<128x128xf32>
    %dot_general3A_19 = arith.constant dense<0.000000e+00> : vector<1000x128xf32>
    %dot_general3A_20 = tpu.matmul %get3A_15, %get3A_18, %dot_general3A_19 {dimension_numbers = #tpu.dot_dimension_numbers<[1], [1], [0], [0], [0, 0, 1, 0], [], []>, transpose_lhs_hint = false} : vector<1000x128xf32>, vector<128x128xf32>, vector<1000x128xf32> -> vector<1000x128xf32>
    %add3A_21 = arith.addf %dot_general3A_12, %dot_general3A_20 : vector<1000x128xf32>
    %get3A_22 = arith.constant 0 : index
    %get3A_23 = arith.constant 0 : index
    %get3A_24 = vector.load %arg5[%get3A_22, %get3A_23] : memref<1x128xf32, #tpu.memory_space<vmem>>, vector<1x128xf32>
    %add3A_25 = vector.broadcast %get3A_24 : vector<1x128xf32> to vector<1000x128xf32>
    %add3A_26 = arith.addf %add3A_21, %add3A_25 : vector<1000x128xf32>
    %gt3A = arith.constant 0.000000e+00 : f32
    %gt3A_27 = vector.broadcast %gt3A : f32 to vector<1000x128xf32>
    %gt3A_28 = arith.cmpf ogt, %add3A_26, %gt3A_27 : vector<1000x128xf32>
    %exp3A = math.exp %add3A_26 : vector<1000x128xf32>
    %sub3A = arith.constant 1.000000e+00 : f32
    %sub3A_29 = vector.broadcast %sub3A : f32 to vector<1000x128xf32>
    %sub3A_30 = arith.subf %exp3A, %sub3A_29 : vector<1000x128xf32>
    %select_n3A = arith.select %gt3A_28, %add3A_26, %sub3A_30 : vector<1000x128xi1>, vector<1000x128xf32>
    %swap3A = arith.constant 0 : index
    %swap3A_31 = arith.constant 0 : index
    %swap3A_32 = vector.load %arg6[%swap3A, %swap3A_31] : memref<1000x128xf32, #tpu.memory_space<vmem>>, vector<1000x128xf32>
    tpu.vector_store %arg6[%swap3A, %swap3A_31], %select_n3A {strides = array<i32>} : memref<1000x128xf32, #tpu.memory_space<vmem>>, vector<1000x128xf32>,
    return
  }
  func.func @transform_0(%arg0: i32) -> (i32, i32, i32) {
    %c0_i32 = arith.constant 0 : i32
    %c0_i32_0 = arith.constant 0 : i32
    %c0_i32_1 = arith.constant 0 : i32
    return %c0_i32, %arg0, %c0_i32_0 : i32, i32, i32
  }
  func.func @transform_1(%arg0: i32) -> (i32, i32) {
    %c0_i32 = arith.constant 0 : i32
    %c0_i32_0 = arith.constant 0 : i32
    return %arg0, %c0_i32 : i32, i32
  }
  func.func @transform_2(%arg0: i32) -> (i32, i32) {
    %c0_i32 = arith.constant 0 : i32
    %c0_i32_0 = arith.constant 0 : i32
    %c0_i32_1 = arith.constant 0 : i32
    return %c0_i32, %c0_i32_0 : i32, i32
  }
  func.func @transform_3(%arg0: i32) -> (i32, i32) {
    %c0_i32 = arith.constant 0 : i32
    %c0_i32_0 = arith.constant 0 : i32
    %c0_i32_1 = arith.constant 0 : i32
    return %c0_i32, %c0_i32_0 : i32, i32
  }
  func.func @transform_4(%arg0: i32) -> (i32, i32) {
    %c0_i32 = arith.constant 0 : i32
    %c0_i32_0 = arith.constant 0 : i32
    %c0_i32_1 = arith.constant 0 : i32
    return %c0_i32, %c0_i32_0 : i32, i32
  }
  func.func @transform_5(%arg0: i32) -> (i32, i32) {
    %c0_i32 = arith.constant 0 : i32
    %c0_i32_0 = arith.constant 0 : i32
    return %arg0, %c0_i32 : i32, i32
  }
}

module attributes {stable_mosaic.version = 14 : i64} {
  func.func @_dense_body(%arg0: i32, %arg1: memref<2x1000x128xf32, #tpu.memory_space<vmem>>, %arg2: memref<1000x128xf32, #tpu.memory_space<vmem>>, %arg3: memref<128x128xf32, #tpu.memory_space<vmem>>, %arg4: memref<128x128xf32, #tpu.memory_space<vmem>>, %arg5: memref<1x128xf32, #tpu.memory_space<vmem>>, %arg6: memref<1000x128xf32, #tpu.memory_space<vmem>>) attributes {dimension_semantics = [#tpu.dimension_semantics<arbitrary>], iteration_bounds = array<i64: 10>, scalar_prefetch = 0 : i64, scratch_operands = 0 : i64, tpu.core_type = #tpu.core_type<tc>, window_params = [{transform_indices = @transform_0, window_bounds = array<i64: 2, 1000, 128>}, {transform_indices = @transform_1, window_bounds = array<i64: 1000, 128>}, {pipeline_mode = #tpu.pipeline_mode<synchronous>, transform_indices = @transform_2, window_bounds = array<i64: 128, 128>}, {pipeline_mode = #tpu.pipeline_mode<synchronous>, transform_indices = @transform_3, window_bounds = array<i64: 128, 128>}, {pipeline_mode = #tpu.pipeline_mode<synchronous>, transform_indices = @transform_4, window_bounds = array<i64: 1, 128>}, {transform_indices = @transform_5, window_bounds = array<i64: 1000, 128>}]} {
    %get3A = arith.constant 0 : index
    %get3A_0 = arith.constant 0 : index
    %get3A_1 = arith.constant 0 : index
    %get3A_2 = vector.load %arg1[%get3A, %get3A_0, %get3A_1] : memref<2x1000x128xf32, #tpu.memory_space<vmem>>, vector<1x1000x128xf32>
    %get3A_3 = vector.shape_cast %get3A_2 : vector<1x1000x128xf32> to vector<1000x128xf32>
    %get3A_4 = arith.constant 1 : index
    %get3A_5 = arith.constant 0 : index
    %get3A_6 = arith.constant 0 : index
    %get3A_7 = vector.load %arg1[%get3A_4, %get3A_5, %get3A_6] : memref<2x1000x128xf32, #tpu.memory_space<vmem>>, vector<1x1000x128xf32>
    %get3A_8 = vector.shape_cast %get3A_7 : vector<1x1000x128xf32> to vector<1000x128xf32>
    %add3A = arith.addf %get3A_3, %get3A_8 : vector<1000x128xf32>
    %get3A_9 = arith.constant 0 : index
    %get3A_10 = arith.constant 0 : index
    %get3A_11 = vector.load %arg3[%get3A_9, %get3A_10] : memref<128x128xf32, #tpu.memory_space<vmem>>, vector<128x128xf32>
    %dot_general3A = arith.constant dense<0.000000e+00> : vector<1000x128xf32>
    %dot_general3A_12 = tpu.matmul %add3A, %get3A_11, %dot_general3A {dimension_numbers = #tpu.dot_dimension_numbers<[1], [1], [0], [0], [0, 0, 1, 0], [], []>, transpose_lhs_hint = false} : vector<1000x128xf32>, vector<128x128xf32>, vector<1000x128xf32> -> vector<1000x128xf32>
    %get3A_13 = arith.constant 0 : index
    %get3A_14 = arith.constant 0 : index
    %get3A_15 = vector.load %arg2[%get3A_13, %get3A_14] : memref<1000x128xf32, #tpu.memory_space<vmem>>, vector<1000x128xf32>
    %get3A_16 = arith.constant 0 : index
    %get3A_17 = arith.constant 0 : index
    %get3A_18 = vector.load %arg4[%get3A_16, %get3A_17] : memref<128x128xf32, #tpu.memory_space<vmem>>, vector<128x128xf32>
    %dot_general3A_19 = arith.constant dense<0.000000e+00> : vector<1000x128xf32>
    %dot_general3A_20 = tpu.matmul %get3A_15, %get3A_18, %dot_general3A_19 {dimension_numbers = #tpu.dot_dimension_numbers<[1], [1], [0], [0], [0, 0, 1, 0], [], []>, transpose_lhs_hint = false} : vector<1000x128xf32>, vector<128x128xf32>, vector<1000x128xf32> -> vector<1000x128xf32>
    %add3A_21 = arith.addf %dot_general3A_12, %dot_general3A_20 : vector<1000x128xf32>
    %get3A_22 = arith.constant 0 : index
    %get3A_23 = arith.constant 0 : index
    %get3A_24 = vector.load %arg5[%get3A_22, %get3A_23] : memref<1x128xf32, #tpu.memory_space<vmem>>, vector<1x128xf32>
    %add3A_25 = vector.broadcast %get3A_24 : vector<1x128xf32> to vector<1000x128xf32>
    %add3A_26 = arith.addf %add3A_21, %add3A_25 : vector<1000x128xf32>
    %neg3A = arith.constant 0.000000e+00 : f32
    %neg3A_27 = vector.broadcast %neg3A : f32 to vector<1000x128xf32>
    %neg3A_28 = arith.subf %neg3A_27, %add3A_26 : vector<1000x128xf32>
    %exp3A = math.exp %neg3A_28 : vector<1000x128xf32>
    %add3A_29 = arith.constant 1.000000e+00 : f32
    %add3A_30 = vector.broadcast %add3A_29 : f32 to vector<1000x128xf32>
    %add3A_31 = arith.addf %add3A_30, %exp3A : vector<1000x128xf32>
    %div3A = arith.constant 1.000000e+00 : f32
    %div3A_32 = vector.broadcast %div3A : f32 to vector<1000x128xf32>
    %div3A_33 = arith.divf %div3A_32, %add3A_31 : vector<1000x128xf32>
    %swap3A = arith.constant 0 : index
    %swap3A_34 = arith.constant 0 : index
    %swap3A_35 = vector.load %arg6[%swap3A, %swap3A_34] : memref<1000x128xf32, #tpu.memory_space<vmem>>, vector<1000x128xf32>
    tpu.vector_store %arg6[%swap3A, %swap3A_34], %div3A_33 {strides = array<i32>} : memref<1000x128xf32, #tpu.memory_space<vmem>>, vector<1000x128xf32>,
    return
  }
  func.func @transform_0(%arg0: i32) -> (i32, i32, i32) {
    %c0_i32 = arith.constant 0 : i32
    %c0_i32_0 = arith.constant 0 : i32
    %c0_i32_1 = arith.constant 0 : i32
    return %c0_i32, %arg0, %c0_i32_0 : i32, i32, i32
  }
  func.func @transform_1(%arg0: i32) -> (i32, i32) {
    %c0_i32 = arith.constant 0 : i32
    %c0_i32_0 = arith.constant 0 : i32
    return %arg0, %c0_i32 : i32, i32
  }
  func.func @transform_2(%arg0: i32) -> (i32, i32) {
    %c0_i32 = arith.constant 0 : i32
    %c0_i32_0 = arith.constant 0 : i32
    %c0_i32_1 = arith.constant 0 : i32
    return %c0_i32, %c0_i32_0 : i32, i32
  }
  func.func @transform_3(%arg0: i32) -> (i32, i32) {
    %c0_i32 = arith.constant 0 : i32
    %c0_i32_0 = arith.constant 0 : i32
    %c0_i32_1 = arith.constant 0 : i32
    return %c0_i32, %c0_i32_0 : i32, i32
  }
  func.func @transform_4(%arg0: i32) -> (i32, i32) {
    %c0_i32 = arith.constant 0 : i32
    %c0_i32_0 = arith.constant 0 : i32
    %c0_i32_1 = arith.constant 0 : i32
    return %c0_i32, %c0_i32_0 : i32, i32
  }
  func.func @transform_5(%arg0: i32) -> (i32, i32) {
    %c0_i32 = arith.constant 0 : i32
    %c0_i32_0 = arith.constant 0 : i32
    return %arg0, %c0_i32 : i32, i32
  }
}

</mosaic_0001>

<sc_bundles>
// kernel: kernel.11.cloned.1.call-start
scs
__scs_entry_jumppad:
0x0: {  	(pc) =	sbr.rel $0x88, $3  }
0x1: {  	(tag) =	ssettag $0x0;
	lr =	simm.s32 $0x1  }
0x2: {  	[smem:$0x3F96] =	sst lr;
	_ =	strace $0xD0000000  }
0x3: {  	_ = 	snop  }
0x4: {  	_ = 	snop  }
0x5: {  	_ = 	snop  }
0x6: {  	_ = 	snop  }
0x7: {  	_ = 	snop  }
__scs_overlays_trampoline_lowered:
0x8: {  	[smem:$0x3FA5] =	sst s0  }
0x9: {  	[smem:$0x3FA6] =	sst s1  }
0xa: {  	[smem:$0x3FA7] =	sst s2  }
0xb: {  	[smem:$0x3FA8] =	sst s3  }
0xc: {  	[smem:$0x3FA9] =	sst s4  }
0xd: {  	[smem:$0x3FAA] =	sst s5  }
0xe: {  	[smem:$0x3FAB] =	sst s6  }
0xf: {  	[smem:$0x3FAC] =	sst s7  }
0x10: {  	[smem:$0x3FAD] =	sst s8  }
0x11: {  	[smem:$0x3FAE] =	sst s9;
	s0 =	simm.s32 @!p0 $0x0  }
0x12: {  	s1 =	sld [smem:$0x3F94];
	s0 =	simm.s32 @p0 $0x1  }
0x13: {  	[smem:$0x3FAF] =	sst s0;
	s0 =	simm.s32 @!p1 $0x0  }
0x14: {  	s2 =	sld [smem:$0x3F93];
	s0 =	simm.s32 @p1 $0x1  }
0x15: {  	[smem:$0x3FB0] =	sst s0;
	s0 =	simm.s32 @!p2 $0x0  }
0x16: {  	s3 =	sld [smem:$0x3FDB];
	s0 =	simm.s32 @p2 $0x1  }
0x17: {  	s4 =	simm.s32 $0x1BF5;
	[smem:$0x3FB2] =	sst s0  }
0x18: {  	s0 =	sld [smem:$0x3F95];
	_ =	swait.ge [sflag:s4], $0x0  }
0x19: {  	s7 =	sld [smem:$0x3F96]  }
0x1a: {  	s8 =	sadd.s32 $0xFFFFE003, lr  }
0x1b: {  	s9 =	sadd.s32 $0xFFFFFEF7, lr;
	s5 =	simm.s32 $0xFFFFFFFF;
	p2 =	slt.u32 s8, $0xFFFFF086  }
0x1c: {  	p1 =	slt.u32 s9, $0xF7A;
	s5 =	simm.s32 @!p2 $0x0  }
0x1d: {  	s5 =	simm.s32 @p1 $0x1;
	p0 =	seq.s32 s7, s2  }
0x1e: {  	s7 =	smul.u32 @!p0 $0xF7A, s2;
	p2 =	seq.s32 @!p0 s5, $0x0  }
0x1f: {  	s9 =	smul.u32 $0xF7A, s1;
	s8 =	simm.s32 @!p0 $0x1BF5;
	p2 =	por !p2, p0  }
0x20: {  	[sflag:s8] =	ssyncset.s32 @!p0 $0xFFFFF086;
	s6 =	sadd.s32 @!p0 s3, s7;
	s7 =	simm.s32 @!p0 $0x108  }
0x21: {  	s3 =	sadd.s32 s3, s9;
	s6 =	sadd.s32 @!p0 $0x88, s6;
	s7 =	simm.s32 @p2 $0x1082  }
0x22: {  	[simem:s7], [sflag:s8] =	dma.local @!p0 [hbm:s6], $0xF7A  }
0x23: {  	s9 =	sor.u32 $0xD0000000, s2;
	s6 =	simm.s32 $0x108;
	_ =	swait.ge @!p0 [sflag:s8], $0x0  }
0x24: {  	s3 =	sadd.s32 $0x88, s3;
	s6 =	simm.s32 @!p1 $0x1082;
	[sflag:s4] =	ssyncset.s32 $0xFFFFF086  }
0x25: {  	[simem:s6], [sflag:s4] =	dma.local [hbm:s3], $0xF7A  }
0x26: {  	[smem:$0x3F96] =	sst s1;
	(tag) =	ssettag s2;
	_ =	strace s9  }
0x27: {  	s1 =	sld [smem:$0x3FA6]  }
0x28: {  	s2 =	sld [smem:$0x3FA7]  }
0x29: {  	s4 =	sld [smem:$0x3FA9]  }
0x2a: {  	p0 =	seq.s32 s5, $0x0;
	s5 =	sld [smem:$0x3FAA]  }
0x2b: {  	s6 =	sld [smem:$0x3FAB]  }
0x2c: {  	s7 =	sld [smem:$0x3FAC]  }
0x2d: {  	s3 =	simm.s32 $0x108;
	s8 =	sld [smem:$0x3FAD]  }
0x2e: {  	s3 =	simm.s32 @!p0 $0x1082;
	s9 =	sld [smem:$0x3FAE]  }
0x2f: {  	lr =	sadd.s32 s0, s3;
	s0 =	sld [smem:$0x3FA5]  }
0x30: {  	s3 =	sld [smem:$0x3FA8]  }
0x31: {  	[smem:$0x3FB1] =	sst s10  }
0x32: {  	s10 =	sld [smem:$0x3FAF];
	_ =	sdelay $0x3  }
0x33: {  	p0 =	seq.s32 s10, $0x1;
	s10 =	sld [smem:$0x3FB1];
	_ =	sdelay $0x3  }
0x34: {  	[smem:$0x3FB1] =	sst s10  }
0x35: {  	s10 =	sld [smem:$0x3FB0];
	_ =	sdelay $0x3  }
0x36: {  	p1 =	seq.s32 s10, $0x1;
	s10 =	sld [smem:$0x3FB1];
	_ =	sdelay $0x3  }
0x37: {  	[smem:$0x3FB1] =	sst s10  }
0x38: {  	s10 =	sld [smem:$0x3FB2]  }
0x39: {  	_ = 	snop;
	(pc) =	sbr.ind lr, $3  }
0x3a: {  	_ = 	snop  }
0x3b: {  	_ = 	snop  }
0x3c: {  	p2 =	seq.s32 s10, $0x1;
	s10 =	sld [smem:$0x3FB1]  }
0x3d: {  	_ =	shalt  }
0x3e: {  	_ =	shalt  }
0x3f: {  	_ =	shalt  }
0x40: {  	_ =	shalt  }
0x41: {  	_ =	shalt  }
0x42: {  	_ =	shalt  }
0x43: {  	_ =	shalt  }
0x44: {  	_ =	shalt  }
0x45: {  	_ =	shalt  }
0x46: {  	_ =	shalt  }
0x47: {  	_ =	shalt  }
0x48: {  	_ =	shalt  }
0x49: {  	_ =	shalt  }
0x4a: {  	_ =	shalt  }
0x4b: {  	_ =	shalt  }
0x4c: {  	_ =	shalt  }
0x4d: {  	_ =	shalt  }
0x4e: {  	_ =	shalt  }
0x4f: {  	_ =	shalt  }
0x50: {  	_ =	shalt  }
0x51: {  	_ =	shalt  }
0x52: {  	_ =	shalt  }
0x53: {  	_ =	shalt  }
0x54: {  	_ =	shalt  }
0x55: {  	_ =	shalt  }
0x56: {  	_ =	shalt  }
0x57: {  	_ =	shalt  }
0x58: {  	_ =	shalt  }
0x59: {  	_ =	shalt  }
0x5a: {  	_ =	shalt  }
0x5b: {  	_ =	shalt  }
0x5c: {  	_ =	shalt  }
0x5d: {  	_ =	shalt  }
0x5e: {  	_ =	shalt  }
0x5f: {  	_ =	shalt  }
0x60: {  	_ =	shalt  }
0x61: {  	_ =	shalt  }
0x62: {  	_ =	shalt  }
0x63: {  	_ =	shalt  }
0x64: {  	_ =	shalt  }
0x65: {  	_ =	shalt  }
0x66: {  	_ =	shalt  }
0x67: {  	_ =	shalt  }
0x68: {  	_ =	shalt  }
0x69: {  	_ =	shalt  }
0x6a: {  	_ =	shalt  }
0x6b: {  	_ =	shalt  }
0x6c: {  	_ =	shalt  }
0x6d: {  	_ =	shalt  }
0x6e: {  	_ =	shalt  }
0x6f: {  	_ =	shalt  }
0x70: {  	_ =	shalt  }
0x71: {  	_ =	shalt  }
0x72: {  	_ =	shalt  }
0x73: {  	_ =	shalt  }
0x74: {  	_ =	shalt  }
0x75: {  	_ =	shalt  }
0x76: {  	_ =	shalt  }
0x77: {  	_ =	shalt  }
0x78: {  	_ =	shalt  }
0x79: {  	_ =	shalt  }
0x7a: {  	_ =	shalt  }
0x7b: {  	_ =	shalt  }
0x7c: {  	_ =	shalt  }
0x7d: {  	_ =	shalt  }
0x7e: {  	_ =	shalt  }
0x7f: {  	_ =	shalt  }
0x80: {  	_ =	shalt  }
0x81: {  	_ =	shalt  }
0x82: {  	_ =	shalt  }
0x83: {  	_ =	shalt  }
0x84: {  	_ =	shalt  }
0x85: {  	_ =	shalt  }
0x86: {  	_ =	shalt  }
0x87: {  	_ =	shalt  }
.Lfunc_end0:
.L_simem_size_0:
called_computation.1_lowered:
.L_overlay_start_0:
0x88: {  	s2 =	sld [smem:$0x3FD9]  }
0x89: {  	s3 =	sld [smem:$0x3FFE];
	_ =	sdelay $0x1  }
0x8a: {  	s1 =	srdreg.scid  }
0x8b: {  	s0 =	sand.u32 $0x1, s1  }
0x8c: {  	s14 =	sshll.u32 s0, $0xA;
	s2 =	sadd.s32 s3, s2  }
0x8d: {  	s2 =	sadd.s32 s2, s14  }
0x8e: {  	[smem:$0x3FBD] =	sst s2  }
0x8f: {  	_ = 	snop  }
0x90: {  	s2 =	sld [smem:$0x3FD0];
	_ =	sdelay $0x2  }
0x91: {  	s15 =	simm.s32 $0xA;
	s4 =	simm.s32 $0x10  }
0x92: {  	[smem:s4], [sflag:s15] =	dma.local [hbm:s2], $0x1  }
0x93: {  	_ =	swait.eq [sflag:s15], $0x1  }
0x94: {  	[sflag:s15] =	ssyncset.done $0x0  }
0x95: {  	s16 =	sld [smem:$0x10];
	[sflag:s15] =	ssyncadd.s32 $0xFFFFFFFF  }
0x96: {  	s17 =	sld [smem:$0x12];
	(tm) =	ssettm $0x1  }
0x97: {  	s18 =	sld [smem:$0x3FFB];
	_ =	sdelay $0x3  }
0x98: {  	_ =	strace s18  }
0x99: {  	s4 =	sld [smem:$0x3FFC];
	_ =	sdelay $0x3  }
0x9a: {  	_ =	strace s4  }
0x9b: {  	s4 =	sld [smem:$0x3FFD];
	_ =	sdelay $0x3  }
0x9c: {  	_ =	strace s4  }
0x9d: {  	_ =	strace $0x8FFFFFFF  }
0x9e: {  	s19 =	sld [smem:$0x3FDB];
	_ =	sdelay $0x1  }
0x9f: {  	s5 =	simm.s32 $_scs_section_size  }
0xa0: {  	s6 =	simm.s32 $_size__tile_overlayer_lowered;
	s7 =	simm.s32 $_tile_overlayer_lowered  }
0xa1: {  	s22 =	simm.s32 $0x1BFF;
	s21 =	sshll.u32 s7, $0x1;
	s4 =	sadd.s32 s5, s19  }
0xa2: {  	s8 =	simm.s32 $0x0;
	s20 =	sshll.u32 s6, $0x1;
	s6 =	sadd.s32 s21, s4  }
0xa3: {  	[timem:s8], [sflag:s22] =	dma.local [hbm:s6], s20  }
0xa4: {  	_ =	swait.ge [sflag:s22], s20  }
0xa5: {  	s5 =	ssub.s32 $0x0, s20;
	[sflag:s22] =	ssyncset.done $0x0  }
0xa6: {  	[sflag:s22] =	ssyncadd.s32 s5;
	_ =	sdelay $0x1  }
0xa7: {  	s23 =	simm.s32 $0x1B8B  }
0xa8: {  	_ =	swait.ge [sflag:s23], $0x1  }
0xa9: {  	[sflag:s23] =	ssyncset.done $0x0  }
0xaa: {  	s25 =	simm.s32 $0x1B8E;
	s24 =	sld [smem:$0x3FFE];
	[sflag:s23] =	ssyncadd.s32 $0xFFFFFFFF  }
0xab: {  	s26 =	simm.s32 $execute0_lowered;
	[smem:$0x3FD2] =	sst s25  }
0xac: {  	s6 =	sshll.u32 s26, $0x1;
	_ =	strace $0x80000049;
	[dreg:$0x1] =	wrdreg $0xFFFFFFFF  }
0xad: {  	s28 =	simm.s32 $_size_execute0_lowered;
	s4 =	sadd.s32 s4, s6;
	[dreg:$0x0] =	wrdreg $0x0  }
0xae: {  	s6 =	sshll.u32 s28, $0x1;
	[dreg:$0x2] =	wrdreg s4  }
0xaf: {  	[dreg:$0x3] =	wrdreg s6  }
0xb0: {  	[dreg:$0x4] =	wrdreg $0xC0  }
0xb1: {  	_ =	task [dreg:s8], $0x5FFFF  }
0xb2: {  	[dreg:$0x1] =	wrdreg $0xFFFFFFFF  }
0xb3: {  	[dreg:$0x0] =	wrdreg $0x60  }
0xb4: {  	[dreg:$0x2] =	wrdreg s16  }
0xb5: {  	[dreg:$0x3] =	wrdreg s24  }
0xb6: {  	[dreg:$0x4] =	wrdreg s17  }
0xb7: {  	[dreg:$0x5] =	wrdreg $0xA0000  }
0xb8: {  	[dreg:$0x6] =	wrdreg $0x9  }
0xb9: {  	_ =	task.clear_ibuf [dreg:s8], $0x7FFFF;
	_ =	strace $0x90000049  }
0xba: {  	s29 =	simm.s32 $0x9;
	_ =	strace $0x8000004B  }
0xbb: {  	_ =	swait.ge [sflag:s29], $0x1  }
0xbc: {  	[sflag:s29] =	ssyncadd.s32 $0xFFFFFFFF  }
0xbd: {  	_ =	strace $0x9000004B  }
0xbe: {  	_ =	sfence  }
0xbf: {  	s30 =	sld [smem:$0x0];
	_ =	sdelay $0x2  }
0xc0: {  	s31 =	sshll.u32 s1, $0xD;
	s1 =	sshrl.u32 s1, $0x2  }
0xc1: {  	s3 =	sand.u32 $0x4000, s31;
	s1 =	sadd.s32 s1, s30  }
0xc2: {  	s0 =	sor.u32 s3, s0;
	s1 =	sshll.u32 s1, $0x11  }
0xc3: {  	s0 =	sor.u32 s1, s0  }
0xc4: {  	s0 =	sadd.s32 $0x8F2B, s0  }
0xc5: {  	[sflag:s0] =	ssyncadd.remote.s32 $0x1  }
0xc6: {  	_ =	sfence.sel $0xFFFF  }
0xc7: {  	[dreg:$0x0] =	wrdreg $0xFFFFFFFF;
	(pc) =	sbr.abs _section_cstart, $3  }
0xc8: {  	[dreg:$0x1] =	wrdreg $0xFFFFFFFF  }
0xc9: {  	_ =	task.clear_ibuf [dreg:s8], $0x2FFFF;
	_ =	strace $0x9FFFFFFF  }
0xca: {  	(tm) =	ssettm $0x7FFFFFFF  }
0xcb: {  	_ =	shalt  }
tec
execute0_lowered:
.L_overlay_start_1:
0x0: {  	(tag) =	ssettag $0x1  }
0x1: {  	s1 =	rddreg [dreg:$0x0]  }
0x2: {  	s7 =	rddreg [dreg:$0x1]  }
0x3: {  	s9 =	rddreg [dreg:$0x2]  }
0x4: {  	s0 =	srdreg.scid;
	s3 =	rddreg [dreg:$0x3];
	s4 =	simm.s32 $0x0  }
0x5: {  	s15 =	simm.s32 $0x6000;
	s16 =	simm.s32 $0x1;
	s6 =	sand.u32 $0x1, s0  }
0x6: {  	s17 =	simm.s32 $0x0;
	s0 =	stileid.u32;
	s5 =	smul.u32 $0x140000, s6  }
0x7: {  	[smem:$0x7FF] =	sst s4;
	s2 =	sshll.u32 s6, $0x4;
	s8 =	smul.u32 $0x14000, s0  }
0x8: {  	s12 =	ssub.s32 $0x2, s6;
	s29 =	smul.u32 $0x50000, s0;
	p0 =	seq.s32 s6, $0x0  }
0x9: {  	s6 =	simm.s32 $0x5E;
	s31 =	sshll.u32 s0, $0x6;
	s2 =	sor.u32 s0, s2  }
0xa: {  	s28 =	sshrl.u32 s12, $0x1;
	s6 =	simm.s32 @!p0 $0x3F;
	s10 =	smul.u32 $0x600, s2  }
0xb: {  	s2 =	rddreg [dreg:$0x4];
	_ =	strace $0x8000004A;
	s8 =	sadd.s32 s8, s5  }
0xc: {  	s5 =	sadd.s32 $0xEE00, s7;
	s12 =	ssub.s32 s12, s28;
	s30 =	sshrl.u32 s29, $0x2  }
0xd: {  	s8 =	sshrl.u32 s8, $0x3;
	s14 =	sadd.s32 s30, s3;
	s11 =	sadd.s32 s10, s7  }
0xe: {  	s13 =	sadd.s32 s8, s7;
	s7 =	sor.u32 $0x1C02, s31;
	s9 =	sadd.s32 s9, s10  }
0xf: {  	s8 =	sadd.s32 $0x2E00, s11;
	s10 =	sadd.s32 $0x11600, s13;
	s11 =	smax.u32 s12, $0x1  }
0x10: {  	s12 =	sshrl.u32 s14, $0x3;
	s13 =	simm.s32 $0x2;
	s14 =	simm.s32 $0x80  }
.LBB2_1:
0x11: {  	[spmem:s12], [sflag:s7] =	dma.local [hbm:s5], $0x2800  }
0x12: {  	_ =	swait.ge [sflag:s13], $0x2800  }
0x13: {  	[sflag:s13] =	ssyncset.done $0x0  }
0x14: {  	[sflag:s13] =	ssyncadd.s32 $0xFFFFD800  }
0x15: {  	[tilespmem:s4], [sflag:$0x2] =	stream.linear.gather [hbm4b:s8+s4], $0x2F00, $0x38;
	[tilespmem:$0x1E000] =	vst v63  }
0x16: {  	_ =	swait.ge [sflag:s13], $0x2F00  }
0x17: {  	[sflag:s13] =	ssyncset.done $0x0  }
0x18: {  	s18 =	simm.s32 $0x3000;
	[sflag:s13] =	ssyncadd.s32 $0xFFFFD100  }
0x19: {  	[tilespmem:s18], [sflag:$0x2] =	stream.linear.gather [hbm4b:s9+s4], $0x2F00, $0x38;
	[tilespmem:$0x1E000] =	vst v63  }
0x1a: {  	_ =	swait.ge [sflag:s13], $0x2F00  }
0x1b: {  	[sflag:s13] =	ssyncset.done $0x0  }
0x1c: {  	[sflag:s13] =	ssyncadd.s32 $0xFFFFD100  }
0x1d: {  	[bflag:$0x0] =	sbarrier.arrive $0xFFFF  }
0x1e: {  	[tilespmem:s15], [sflag:$0x1] =	stream.indirect.gather [hbm4b:s1+s14], $0x80, s4, s14, $0xb8;
	[tilespmem:$0x1E000] =	vst v63  }
0x1f: {  	p0 =	sne.s32 s6, $0x1;
	_ =	swait.ge [sflag:s16], $0x4000  }
.Ltmp0:
0x20: {  	[sflag:s16] =	ssyncset.done $0x0;
	(pc) =	sbr.rel @!p0 .LBB2_3-.Ltmp0, $4  }
0x21: {  	[sflag:s16] =	ssyncadd.s32 $0xFFFFC000  }
0x22: {  	[spmem:s3] =	stream.indirect.scatter.add.f32 [tilespmem:s15], [sflag:$0x2], $0x80, s18, s14, $0xb8;
	[tilespmem:$0x1E000] =	vst v63  }
0x23: {  	_ =	swait.ge [sflag:s13], $0x4000  }
0x24: {  	s19 =	sadd.s32 $0xFFFFFFFF, s6;
	s20 =	simm.s32 $0x0;
	[sflag:s13] =	ssyncset.done $0x0  }
.LBB2_2:
0x25: {  	[sflag:s13] =	ssyncadd.s32 $0xFFFFC000;
	s20 =	sadd.s32 $0x80, s20;
	s18 =	sadd.s32 $0x80, s18  }
0x26: {  	[tilespmem:s15], [sflag:$0x1] =	stream.indirect.gather [hbm4b:s1+s14], $0x80, s20, s14, $0xb8;
	[tilespmem:$0x1E000] =	vst v63  }
0x27: {  	p0 =	sne.s32 s19, $0x1;
	s19 =	sadd.s32 $0xFFFFFFFF, s19;
	_ =	swait.ge [sflag:s16], $0x4000  }
.Ltmp1:
0x28: {  	[sflag:s16] =	ssyncset.done $0x0;
	(pc) =	sbr.rel @p0 .LBB2_2-.Ltmp1, $4  }
0x29: {  	[sflag:s16] =	ssyncadd.s32 $0xFFFFC000  }
0x2a: {  	[spmem:s3] =	stream.indirect.scatter.add.f32 [tilespmem:s15], [sflag:$0x2], $0x80, s18, s14, $0xb8;
	[tilespmem:$0x1E000] =	vst v63  }
0x2b: {  	_ =	swait.ge [sflag:s13], $0x4000  }
0x2c: {  	[sflag:s13] =	ssyncset.done $0x0  }
.LBB2_3:
0x2d: {  	s17 =	sadd.s32 $0x1, s17  }
0x2e: {  	[sflag:s13] =	ssyncadd.s32 $0xFFFFC000;
	p0 =	sne.s32 s17, s11  }
.Ltmp2:
0x2f: {  	[bflag:$0x0] =	sbarrier.arrive $0xFFFF;
	(pc) =	sbr.rel @p0 .LBB2_1-.Ltmp2, $4  }
0x30: {  	[hbm:s10], [sflag:s7] =	dma.local [spmem:s12], $0x2800  }
0x31: {  	_ =	swait.ge [sflag:s13], $0x2800  }
0x32: {  	[sflag:s13] =	ssyncset.done $0x0  }
0x33: {  	[sflag:s13] =	ssyncadd.s32 $0xFFFFD800  }
0x34: {  	_ =	sfence.sel $0x180000  }
0x35: {  	[bflag:$0x0] =	sbarrier.arrive $0xFFFF  }
0x36: {  	p0 =	sne.s32 s0, $0x0;
	_ =	strace $0x9000004A  }
0x37: {  	s0 =	sadd.s32 @!p0 $0x100000, s2;
	[bflag:$0x2] =	sbarrier.arrive $0xFFFF  }
0x38: {  	[sflag:s0] =	ssyncadd.tile.s32 @!p0 $0x1;
	_ =	shalt  }
.Lfunc_end2:
_tile_overlayer_lowered:
.L_overlay_start_2:
0x39: {  	(tag) =	ssettag $0x2  }
0x3a: {  	s0 =	rddreg [dreg:$0x0];
	s2 =	stileid.u32  }
0x3b: {  	s1 =	rddreg [dreg:$0x1];
	p0 =	sne.s32 s2, $0x0  }
0x3c: {  	s3 =	rddreg [dreg:$0x2];
	[bflag:$0x3] =	sbarrier.arrive $0xFFFF;
	s2 =	simm.s32 @!p0 $0x1C02  }
0x3d: {  	[timem:s3], [sflag:s2] =	dma.local @!p0 [hbm:s0], s1  }
0x3e: {  	s0 =	simm.s32 @!p0 $0x2  }
0x3f: {  	_ =	swait.ge @!p0 [sflag:s0], s1  }
0x40: {  	s1 =	ssub.s32 @!p0 $0x0, s1;
	[sflag:s0] =	ssyncset.done @!p0 $0x0  }
0x41: {  	[sflag:s0] =	ssyncadd.s32 @!p0 s1  }
0x42: {  	[bflag:$0x3] =	sbarrier.arrive $0xFFFF  }
0x43: {  	_ =	shalt  }

// kernel: kernel.14.cloned.1.call-start
scs
__scs_entry_jumppad:
0x0: {  	(pc) =	sbr.rel $0x88, $3  }
0x1: {  	(tag) =	ssettag $0x0;
	lr =	simm.s32 $0x1  }
0x2: {  	[smem:$0x3F96] =	sst lr;
	_ =	strace $0xD0000000  }
0x3: {  	_ = 	snop  }
0x4: {  	_ = 	snop  }
0x5: {  	_ = 	snop  }
0x6: {  	_ = 	snop  }
0x7: {  	_ = 	snop  }
__scs_overlays_trampoline_lowered:
0x8: {  	[smem:$0x3FA5] =	sst s0  }
0x9: {  	[smem:$0x3FA6] =	sst s1  }
0xa: {  	[smem:$0x3FA7] =	sst s2  }
0xb: {  	[smem:$0x3FA8] =	sst s3  }
0xc: {  	[smem:$0x3FA9] =	sst s4  }
0xd: {  	[smem:$0x3FAA] =	sst s5  }
0xe: {  	[smem:$0x3FAB] =	sst s6  }
0xf: {  	[smem:$0x3FAC] =	sst s7  }
0x10: {  	[smem:$0x3FAD] =	sst s8  }
0x11: {  	[smem:$0x3FAE] =	sst s9;
	s0 =	simm.s32 @!p0 $0x0  }
0x12: {  	s1 =	sld [smem:$0x3F94];
	s0 =	simm.s32 @p0 $0x1  }
0x13: {  	[smem:$0x3FAF] =	sst s0;
	s0 =	simm.s32 @!p1 $0x0  }
0x14: {  	s2 =	sld [smem:$0x3F93];
	s0 =	simm.s32 @p1 $0x1  }
0x15: {  	[smem:$0x3FB0] =	sst s0;
	s0 =	simm.s32 @!p2 $0x0  }
0x16: {  	s3 =	sld [smem:$0x3FDB];
	s0 =	simm.s32 @p2 $0x1  }
0x17: {  	s4 =	simm.s32 $0x1BF5;
	[smem:$0x3FB2] =	sst s0  }
0x18: {  	s0 =	sld [smem:$0x3F95];
	_ =	swait.ge [sflag:s4], $0x0  }
0x19: {  	s7 =	sld [smem:$0x3F96]  }
0x1a: {  	s8 =	sadd.s32 $0xFFFFE003, lr  }
0x1b: {  	s9 =	sadd.s32 $0xFFFFFEF7, lr;
	s5 =	simm.s32 $0xFFFFFFFF;
	p2 =	slt.u32 s8, $0xFFFFF086  }
0x1c: {  	p1 =	slt.u32 s9, $0xF7A;
	s5 =	simm.s32 @!p2 $0x0  }
0x1d: {  	s5 =	simm.s32 @p1 $0x1;
	p0 =	seq.s32 s7, s2  }
0x1e: {  	s7 =	smul.u32 @!p0 $0xF7A, s2;
	p2 =	seq.s32 @!p0 s5, $0x0  }
0x1f: {  	s9 =	smul.u32 $0xF7A, s1;
	s8 =	simm.s32 @!p0 $0x1BF5;
	p2 =	por !p2, p0  }
0x20: {  	[sflag:s8] =	ssyncset.s32 @!p0 $0xFFFFF086;
	s6 =	sadd.s32 @!p0 s3, s7;
	s7 =	simm.s32 @!p0 $0x108  }
0x21: {  	s3 =	sadd.s32 s3, s9;
	s6 =	sadd.s32 @!p0 $0x88, s6;
	s7 =	simm.s32 @p2 $0x1082  }
0x22: {  	[simem:s7], [sflag:s8] =	dma.local @!p0 [hbm:s6], $0xF7A  }
0x23: {  	s9 =	sor.u32 $0xD0000000, s2;
	s6 =	simm.s32 $0x108;
	_ =	swait.ge @!p0 [sflag:s8], $0x0  }
0x24: {  	s3 =	sadd.s32 $0x88, s3;
	s6 =	simm.s32 @!p1 $0x1082;
	[sflag:s4] =	ssyncset.s32 $0xFFFFF086  }
0x25: {  	[simem:s6], [sflag:s4] =	dma.local [hbm:s3], $0xF7A  }
0x26: {  	[smem:$0x3F96] =	sst s1;
	(tag) =	ssettag s2;
	_ =	strace s9  }
0x27: {  	s1 =	sld [smem:$0x3FA6]  }
0x28: {  	s2 =	sld [smem:$0x3FA7]  }
0x29: {  	s4 =	sld [smem:$0x3FA9]  }
0x2a: {  	p0 =	seq.s32 s5, $0x0;
	s5 =	sld [smem:$0x3FAA]  }
0x2b: {  	s6 =	sld [smem:$0x3FAB]  }
0x2c: {  	s7 =	sld [smem:$0x3FAC]  }
0x2d: {  	s3 =	simm.s32 $0x108;
	s8 =	sld [smem:$0x3FAD]  }
0x2e: {  	s3 =	simm.s32 @!p0 $0x1082;
	s9 =	sld [smem:$0x3FAE]  }
0x2f: {  	lr =	sadd.s32 s0, s3;
	s0 =	sld [smem:$0x3FA5]  }
0x30: {  	s3 =	sld [smem:$0x3FA8]  }
0x31: {  	[smem:$0x3FB1] =	sst s10  }
0x32: {  	s10 =	sld [smem:$0x3FAF];
	_ =	sdelay $0x3  }
0x33: {  	p0 =	seq.s32 s10, $0x1;
	s10 =	sld [smem:$0x3FB1];
	_ =	sdelay $0x3  }
0x34: {  	[smem:$0x3FB1] =	sst s10  }
0x35: {  	s10 =	sld [smem:$0x3FB0];
	_ =	sdelay $0x3  }
0x36: {  	p1 =	seq.s32 s10, $0x1;
	s10 =	sld [smem:$0x3FB1];
	_ =	sdelay $0x3  }
0x37: {  	[smem:$0x3FB1] =	sst s10  }
0x38: {  	s10 =	sld [smem:$0x3FB2]  }
0x39: {  	_ = 	snop;
	(pc) =	sbr.ind lr, $3  }
0x3a: {  	_ = 	snop  }
0x3b: {  	_ = 	snop  }
0x3c: {  	p2 =	seq.s32 s10, $0x1;
	s10 =	sld [smem:$0x3FB1]  }
0x3d: {  	_ =	shalt  }
0x3e: {  	_ =	shalt  }
0x3f: {  	_ =	shalt  }
0x40: {  	_ =	shalt  }
0x41: {  	_ =	shalt  }
0x42: {  	_ =	shalt  }
0x43: {  	_ =	shalt  }
0x44: {  	_ =	shalt  }
0x45: {  	_ =	shalt  }
0x46: {  	_ =	shalt  }
0x47: {  	_ =	shalt  }
0x48: {  	_ =	shalt  }
0x49: {  	_ =	shalt  }
0x4a: {  	_ =	shalt  }
0x4b: {  	_ =	shalt  }
0x4c: {  	_ =	shalt  }
0x4d: {  	_ =	shalt  }
0x4e: {  	_ =	shalt  }
0x4f: {  	_ =	shalt  }
0x50: {  	_ =	shalt  }
0x51: {  	_ =	shalt  }
0x52: {  	_ =	shalt  }
0x53: {  	_ =	shalt  }
0x54: {  	_ =	shalt  }
0x55: {  	_ =	shalt  }
0x56: {  	_ =	shalt  }
0x57: {  	_ =	shalt  }
0x58: {  	_ =	shalt  }
0x59: {  	_ =	shalt  }
0x5a: {  	_ =	shalt  }
0x5b: {  	_ =	shalt  }
0x5c: {  	_ =	shalt  }
0x5d: {  	_ =	shalt  }
0x5e: {  	_ =	shalt  }
0x5f: {  	_ =	shalt  }
0x60: {  	_ =	shalt  }
0x61: {  	_ =	shalt  }
0x62: {  	_ =	shalt  }
0x63: {  	_ =	shalt  }
0x64: {  	_ =	shalt  }
0x65: {  	_ =	shalt  }
0x66: {  	_ =	shalt  }
0x67: {  	_ =	shalt  }
0x68: {  	_ =	shalt  }
0x69: {  	_ =	shalt  }
0x6a: {  	_ =	shalt  }
0x6b: {  	_ =	shalt  }
0x6c: {  	_ =	shalt  }
0x6d: {  	_ =	shalt  }
0x6e: {  	_ =	shalt  }
0x6f: {  	_ =	shalt  }
0x70: {  	_ =	shalt  }
0x71: {  	_ =	shalt  }
0x72: {  	_ =	shalt  }
0x73: {  	_ =	shalt  }
0x74: {  	_ =	shalt  }
0x75: {  	_ =	shalt  }
0x76: {  	_ =	shalt  }
0x77: {  	_ =	shalt  }
0x78: {  	_ =	shalt  }
0x79: {  	_ =	shalt  }
0x7a: {  	_ =	shalt  }
0x7b: {  	_ =	shalt  }
0x7c: {  	_ =	shalt  }
0x7d: {  	_ =	shalt  }
0x7e: {  	_ =	shalt  }
0x7f: {  	_ =	shalt  }
0x80: {  	_ =	shalt  }
0x81: {  	_ =	shalt  }
0x82: {  	_ =	shalt  }
0x83: {  	_ =	shalt  }
0x84: {  	_ =	shalt  }
0x85: {  	_ =	shalt  }
0x86: {  	_ =	shalt  }
0x87: {  	_ =	shalt  }
.Lfunc_end0:
.L_simem_size_0:
called_computation.2_lowered:
.L_overlay_start_0:
0x88: {  	s2 =	sld [smem:$0x3FD9]  }
0x89: {  	s3 =	sld [smem:$0x3FFE];
	_ =	sdelay $0x1  }
0x8a: {  	s1 =	srdreg.scid  }
0x8b: {  	s0 =	sand.u32 $0x1, s1  }
0x8c: {  	s14 =	sshll.u32 s0, $0xA;
	s2 =	sadd.s32 s3, s2  }
0x8d: {  	s2 =	sadd.s32 s2, s14  }
0x8e: {  	[smem:$0x3FBD] =	sst s2  }
0x8f: {  	_ = 	snop  }
0x90: {  	s2 =	sld [smem:$0x3FD0];
	_ =	sdelay $0x2  }
0x91: {  	s15 =	simm.s32 $0xA;
	s4 =	simm.s32 $0x10  }
0x92: {  	[smem:s4], [sflag:s15] =	dma.local [hbm:s2], $0x1  }
0x93: {  	_ =	swait.eq [sflag:s15], $0x1  }
0x94: {  	[sflag:s15] =	ssyncset.done $0x0  }
0x95: {  	s16 =	sld [smem:$0x11];
	[sflag:s15] =	ssyncadd.s32 $0xFFFFFFFF  }
0x96: {  	s17 =	sld [smem:$0x12];
	(tm) =	ssettm $0x1  }
0x97: {  	s18 =	sld [smem:$0x3FFB];
	_ =	sdelay $0x3  }
0x98: {  	_ =	strace s18  }
0x99: {  	s4 =	sld [smem:$0x3FFC];
	_ =	sdelay $0x3  }
0x9a: {  	_ =	strace s4  }
0x9b: {  	s4 =	sld [smem:$0x3FFD];
	_ =	sdelay $0x3  }
0x9c: {  	_ =	strace s4  }
0x9d: {  	_ =	strace $0x8FFFFFFF  }
0x9e: {  	s19 =	sld [smem:$0x3FDB];
	_ =	sdelay $0x1  }
0x9f: {  	s5 =	simm.s32 $_scs_section_size  }
0xa0: {  	s6 =	simm.s32 $_size__tile_overlayer_lowered;
	s7 =	simm.s32 $_tile_overlayer_lowered  }
0xa1: {  	s22 =	simm.s32 $0x1BFF;
	s21 =	sshll.u32 s7, $0x1;
	s4 =	sadd.s32 s5, s19  }
0xa2: {  	s8 =	simm.s32 $0x0;
	s20 =	sshll.u32 s6, $0x1;
	s6 =	sadd.s32 s21, s4  }
0xa3: {  	[timem:s8], [sflag:s22] =	dma.local [hbm:s6], s20  }
0xa4: {  	_ =	swait.ge [sflag:s22], s20  }
0xa5: {  	s5 =	ssub.s32 $0x0, s20;
	[sflag:s22] =	ssyncset.done $0x0  }
0xa6: {  	[sflag:s22] =	ssyncadd.s32 s5;
	_ =	sdelay $0x1  }
0xa7: {  	s23 =	simm.s32 $0x1B8B  }
0xa8: {  	_ =	swait.ge [sflag:s23], $0x1  }
0xa9: {  	[sflag:s23] =	ssyncset.done $0x0  }
0xaa: {  	s25 =	simm.s32 $0x1B8E;
	s24 =	sld [smem:$0x3FFE];
	[sflag:s23] =	ssyncadd.s32 $0xFFFFFFFF  }
0xab: {  	s26 =	simm.s32 $execute0_lowered;
	[smem:$0x3FD2] =	sst s25  }
0xac: {  	s6 =	sshll.u32 s26, $0x1;
	_ =	strace $0x8000004C;
	[dreg:$0x1] =	wrdreg $0xFFFFFFFF  }
0xad: {  	s28 =	simm.s32 $_size_execute0_lowered;
	s4 =	sadd.s32 s4, s6;
	[dreg:$0x0] =	wrdreg $0x0  }
0xae: {  	s6 =	sshll.u32 s28, $0x1;
	[dreg:$0x2] =	wrdreg s4  }
0xaf: {  	[dreg:$0x3] =	wrdreg s6  }
0xb0: {  	[dreg:$0x4] =	wrdreg $0xC0  }
0xb1: {  	_ =	task [dreg:s8], $0x5FFFF  }
0xb2: {  	[dreg:$0x1] =	wrdreg $0xFFFFFFFF  }
0xb3: {  	[dreg:$0x0] =	wrdreg $0x60  }
0xb4: {  	[dreg:$0x2] =	wrdreg s16  }
0xb5: {  	[dreg:$0x3] =	wrdreg s24  }
0xb6: {  	[dreg:$0x4] =	wrdreg s17  }
0xb7: {  	[dreg:$0x5] =	wrdreg $0xA0000  }
0xb8: {  	[dreg:$0x6] =	wrdreg $0x9  }
0xb9: {  	_ =	task.clear_ibuf [dreg:s8], $0x7FFFF;
	_ =	strace $0x9000004C  }
0xba: {  	s29 =	simm.s32 $0x9;
	_ =	strace $0x8000004E  }
0xbb: {  	_ =	swait.ge [sflag:s29], $0x1  }
0xbc: {  	[sflag:s29] =	ssyncadd.s32 $0xFFFFFFFF  }
0xbd: {  	_ =	strace $0x9000004E  }
0xbe: {  	_ =	sfence  }
0xbf: {  	s30 =	sld [smem:$0x0];
	_ =	sdelay $0x2  }
0xc0: {  	s31 =	sshll.u32 s1, $0xD;
	s1 =	sshrl.u32 s1, $0x2  }
0xc1: {  	s3 =	sand.u32 $0x4000, s31;
	s1 =	sadd.s32 s1, s30  }
0xc2: {  	s0 =	sor.u32 s3, s0;
	s1 =	sshll.u32 s1, $0x11  }
0xc3: {  	s0 =	sor.u32 s1, s0  }
0xc4: {  	s0 =	sadd.s32 $0x8F2B, s0  }
0xc5: {  	[sflag:s0] =	ssyncadd.remote.s32 $0x1  }
0xc6: {  	_ =	sfence.sel $0xFFFF  }
0xc7: {  	[dreg:$0x0] =	wrdreg $0xFFFFFFFF;
	(pc) =	sbr.abs _section_cstart, $3  }
0xc8: {  	[dreg:$0x1] =	wrdreg $0xFFFFFFFF  }
0xc9: {  	_ =	task.clear_ibuf [dreg:s8], $0x2FFFF;
	_ =	strace $0x9FFFFFFF  }
0xca: {  	(tm) =	ssettm $0x7FFFFFFF  }
0xcb: {  	_ =	shalt  }
tec
execute0_lowered:
.L_overlay_start_1:
0x0: {  	(tag) =	ssettag $0x1  }
0x1: {  	s1 =	rddreg [dreg:$0x0]  }
0x2: {  	s7 =	rddreg [dreg:$0x1]  }
0x3: {  	s9 =	rddreg [dreg:$0x2]  }
0x4: {  	s0 =	srdreg.scid;
	s3 =	rddreg [dreg:$0x3];
	s4 =	simm.s32 $0x0  }
0x5: {  	s15 =	simm.s32 $0x6000;
	s16 =	simm.s32 $0x1;
	s6 =	sand.u32 $0x1, s0  }
0x6: {  	s17 =	simm.s32 $0x0;
	s0 =	stileid.u32;
	s5 =	smul.u32 $0x140000, s6  }
0x7: {  	[smem:$0x7FF] =	sst s4;
	s2 =	sshll.u32 s6, $0x4;
	s8 =	smul.u32 $0x14000, s0  }
0x8: {  	s12 =	ssub.s32 $0x2, s6;
	s29 =	smul.u32 $0x50000, s0;
	p0 =	seq.s32 s6, $0x0  }
0x9: {  	s6 =	simm.s32 $0x5E;
	s31 =	sshll.u32 s0, $0x6;
	s2 =	sor.u32 s0, s2  }
0xa: {  	s28 =	sshrl.u32 s12, $0x1;
	s6 =	simm.s32 @!p0 $0x3F;
	s10 =	smul.u32 $0x600, s2  }
0xb: {  	s2 =	rddreg [dreg:$0x4];
	_ =	strace $0x8000004D;
	s8 =	sadd.s32 s8, s5  }
0xc: {  	s5 =	sadd.s32 $0xEE00, s7;
	s12 =	ssub.s32 s12, s28;
	s30 =	sshrl.u32 s29, $0x2  }
0xd: {  	s8 =	sshrl.u32 s8, $0x3;
	s14 =	sadd.s32 s30, s3;
	s11 =	sadd.s32 s10, s7  }
0xe: {  	s13 =	sadd.s32 s8, s7;
	s7 =	sor.u32 $0x1C02, s31;
	s9 =	sadd.s32 s9, s10  }
0xf: {  	s8 =	sadd.s32 $0x2E00, s11;
	s10 =	sadd.s32 $0x11600, s13;
	s11 =	smax.u32 s12, $0x1  }
0x10: {  	s12 =	sshrl.u32 s14, $0x3;
	s13 =	simm.s32 $0x2;
	s14 =	simm.s32 $0x80  }
.LBB2_1:
0x11: {  	[spmem:s12], [sflag:s7] =	dma.local [hbm:s5], $0x2800  }
0x12: {  	_ =	swait.ge [sflag:s13], $0x2800  }
0x13: {  	[sflag:s13] =	ssyncset.done $0x0  }
0x14: {  	[sflag:s13] =	ssyncadd.s32 $0xFFFFD800  }
0x15: {  	[tilespmem:s4], [sflag:$0x2] =	stream.linear.gather [hbm4b:s8+s4], $0x2F00, $0x38;
	[tilespmem:$0x1E000] =	vst v63  }
0x16: {  	_ =	swait.ge [sflag:s13], $0x2F00  }
0x17: {  	[sflag:s13] =	ssyncset.done $0x0  }
0x18: {  	s18 =	simm.s32 $0x3000;
	[sflag:s13] =	ssyncadd.s32 $0xFFFFD100  }
0x19: {  	[tilespmem:s18], [sflag:$0x2] =	stream.linear.gather [hbm4b:s9+s4], $0x2F00, $0x38;
	[tilespmem:$0x1E000] =	vst v63  }
0x1a: {  	_ =	swait.ge [sflag:s13], $0x2F00  }
0x1b: {  	[sflag:s13] =	ssyncset.done $0x0  }
0x1c: {  	[sflag:s13] =	ssyncadd.s32 $0xFFFFD100  }
0x1d: {  	[bflag:$0x0] =	sbarrier.arrive $0xFFFF  }
0x1e: {  	[tilespmem:s15], [sflag:$0x1] =	stream.indirect.gather [hbm4b:s1+s14], $0x80, s4, s14, $0xb8;
	[tilespmem:$0x1E000] =	vst v63  }
0x1f: {  	p0 =	sne.s32 s6, $0x1;
	_ =	swait.ge [sflag:s16], $0x4000  }
.Ltmp0:
0x20: {  	[sflag:s16] =	ssyncset.done $0x0;
	(pc) =	sbr.rel @!p0 .LBB2_3-.Ltmp0, $4  }
0x21: {  	[sflag:s16] =	ssyncadd.s32 $0xFFFFC000  }
0x22: {  	[spmem:s3] =	stream.indirect.scatter.add.f32 [tilespmem:s15], [sflag:$0x2], $0x80, s18, s14, $0xb8;
	[tilespmem:$0x1E000] =	vst v63  }
0x23: {  	_ =	swait.ge [sflag:s13], $0x4000  }
0x24: {  	s19 =	sadd.s32 $0xFFFFFFFF, s6;
	s20 =	simm.s32 $0x0;
	[sflag:s13] =	ssyncset.done $0x0  }
.LBB2_2:
0x25: {  	[sflag:s13] =	ssyncadd.s32 $0xFFFFC000;
	s20 =	sadd.s32 $0x80, s20;
	s18 =	sadd.s32 $0x80, s18  }
0x26: {  	[tilespmem:s15], [sflag:$0x1] =	stream.indirect.gather [hbm4b:s1+s14], $0x80, s20, s14, $0xb8;
	[tilespmem:$0x1E000] =	vst v63  }
0x27: {  	p0 =	sne.s32 s19, $0x1;
	s19 =	sadd.s32 $0xFFFFFFFF, s19;
	_ =	swait.ge [sflag:s16], $0x4000  }
.Ltmp1:
0x28: {  	[sflag:s16] =	ssyncset.done $0x0;
	(pc) =	sbr.rel @p0 .LBB2_2-.Ltmp1, $4  }
0x29: {  	[sflag:s16] =	ssyncadd.s32 $0xFFFFC000  }
0x2a: {  	[spmem:s3] =	stream.indirect.scatter.add.f32 [tilespmem:s15], [sflag:$0x2], $0x80, s18, s14, $0xb8;
	[tilespmem:$0x1E000] =	vst v63  }
0x2b: {  	_ =	swait.ge [sflag:s13], $0x4000  }
0x2c: {  	[sflag:s13] =	ssyncset.done $0x0  }
.LBB2_3:
0x2d: {  	s17 =	sadd.s32 $0x1, s17  }
0x2e: {  	[sflag:s13] =	ssyncadd.s32 $0xFFFFC000;
	p0 =	sne.s32 s17, s11  }
.Ltmp2:
0x2f: {  	[bflag:$0x0] =	sbarrier.arrive $0xFFFF;
	(pc) =	sbr.rel @p0 .LBB2_1-.Ltmp2, $4  }
0x30: {  	[hbm:s10], [sflag:s7] =	dma.local [spmem:s12], $0x2800  }
0x31: {  	_ =	swait.ge [sflag:s13], $0x2800  }
0x32: {  	[sflag:s13] =	ssyncset.done $0x0  }
0x33: {  	[sflag:s13] =	ssyncadd.s32 $0xFFFFD800  }
0x34: {  	_ =	sfence.sel $0x180000  }
0x35: {  	[bflag:$0x0] =	sbarrier.arrive $0xFFFF  }
0x36: {  	p0 =	sne.s32 s0, $0x0;
	_ =	strace $0x9000004D  }
0x37: {  	s0 =	sadd.s32 @!p0 $0x100000, s2;
	[bflag:$0x2] =	sbarrier.arrive $0xFFFF  }
0x38: {  	[sflag:s0] =	ssyncadd.tile.s32 @!p0 $0x1;
	_ =	shalt  }
.Lfunc_end2:
_tile_overlayer_lowered:
.L_overlay_start_2:
0x39: {  	(tag) =	ssettag $0x2  }
0x3a: {  	s0 =	rddreg [dreg:$0x0];
	s2 =	stileid.u32  }
0x3b: {  	s1 =	rddreg [dreg:$0x1];
	p0 =	sne.s32 s2, $0x0  }
0x3c: {  	s3 =	rddreg [dreg:$0x2];
	[bflag:$0x3] =	sbarrier.arrive $0xFFFF;
	s2 =	simm.s32 @!p0 $0x1C02  }
0x3d: {  	[timem:s3], [sflag:s2] =	dma.local @!p0 [hbm:s0], s1  }
0x3e: {  	s0 =	simm.s32 @!p0 $0x2  }
0x3f: {  	_ =	swait.ge @!p0 [sflag:s0], s1  }
0x40: {  	s1 =	ssub.s32 @!p0 $0x0, s1;
	[sflag:s0] =	ssyncset.done @!p0 $0x0  }
0x41: {  	[sflag:s0] =	ssyncadd.s32 @!p0 s1  }
0x42: {  	[bflag:$0x3] =	sbarrier.arrive $0xFFFF  }
0x43: {  	_ =	shalt  }

// kernel: kernel.8.cloned.1.call-start
scs
__scs_entry_jumppad:
0x0: {  	(pc) =	sbr.rel $0x88, $3  }
0x1: {  	(tag) =	ssettag $0x0;
	lr =	simm.s32 $0x1  }
0x2: {  	[smem:$0x3F96] =	sst lr;
	_ =	strace $0xD0000000  }
0x3: {  	_ = 	snop  }
0x4: {  	_ = 	snop  }
0x5: {  	_ = 	snop  }
0x6: {  	_ = 	snop  }
0x7: {  	_ = 	snop  }
__scs_overlays_trampoline_lowered:
0x8: {  	[smem:$0x3FA5] =	sst s0  }
0x9: {  	[smem:$0x3FA6] =	sst s1  }
0xa: {  	[smem:$0x3FA7] =	sst s2  }
0xb: {  	[smem:$0x3FA8] =	sst s3  }
0xc: {  	[smem:$0x3FA9] =	sst s4  }
0xd: {  	[smem:$0x3FAA] =	sst s5  }
0xe: {  	[smem:$0x3FAB] =	sst s6  }
0xf: {  	[smem:$0x3FAC] =	sst s7  }
0x10: {  	[smem:$0x3FAD] =	sst s8  }
0x11: {  	[smem:$0x3FAE] =	sst s9;
	s0 =	simm.s32 @!p0 $0x0  }
0x12: {  	s1 =	sld [smem:$0x3F94];
	s0 =	simm.s32 @p0 $0x1  }
0x13: {  	[smem:$0x3FAF] =	sst s0;
	s0 =	simm.s32 @!p1 $0x0  }
0x14: {  	s2 =	sld [smem:$0x3F93];
	s0 =	simm.s32 @p1 $0x1  }
0x15: {  	[smem:$0x3FB0] =	sst s0;
	s0 =	simm.s32 @!p2 $0x0  }
0x16: {  	s3 =	sld [smem:$0x3FDB];
	s0 =	simm.s32 @p2 $0x1  }
0x17: {  	s4 =	simm.s32 $0x1BF5;
	[smem:$0x3FB2] =	sst s0  }
0x18: {  	s0 =	sld [smem:$0x3F95];
	_ =	swait.ge [sflag:s4], $0x0  }
0x19: {  	s7 =	sld [smem:$0x3F96]  }
0x1a: {  	s8 =	sadd.s32 $0xFFFFE003, lr  }
0x1b: {  	s9 =	sadd.s32 $0xFFFFFEF7, lr;
	s5 =	simm.s32 $0xFFFFFFFF;
	p2 =	slt.u32 s8, $0xFFFFF086  }
0x1c: {  	p1 =	slt.u32 s9, $0xF7A;
	s5 =	simm.s32 @!p2 $0x0  }
0x1d: {  	s5 =	simm.s32 @p1 $0x1;
	p0 =	seq.s32 s7, s2  }
0x1e: {  	s7 =	smul.u32 @!p0 $0xF7A, s2;
	p2 =	seq.s32 @!p0 s5, $0x0  }
0x1f: {  	s9 =	smul.u32 $0xF7A, s1;
	s8 =	simm.s32 @!p0 $0x1BF5;
	p2 =	por !p2, p0  }
0x20: {  	[sflag:s8] =	ssyncset.s32 @!p0 $0xFFFFF086;
	s6 =	sadd.s32 @!p0 s3, s7;
	s7 =	simm.s32 @!p0 $0x108  }
0x21: {  	s3 =	sadd.s32 s3, s9;
	s6 =	sadd.s32 @!p0 $0x88, s6;
	s7 =	simm.s32 @p2 $0x1082  }
0x22: {  	[simem:s7], [sflag:s8] =	dma.local @!p0 [hbm:s6], $0xF7A  }
0x23: {  	s9 =	sor.u32 $0xD0000000, s2;
	s6 =	simm.s32 $0x108;
	_ =	swait.ge @!p0 [sflag:s8], $0x0  }
0x24: {  	s3 =	sadd.s32 $0x88, s3;
	s6 =	simm.s32 @!p1 $0x1082;
	[sflag:s4] =	ssyncset.s32 $0xFFFFF086  }
0x25: {  	[simem:s6], [sflag:s4] =	dma.local [hbm:s3], $0xF7A  }
0x26: {  	[smem:$0x3F96] =	sst s1;
	(tag) =	ssettag s2;
	_ =	strace s9  }
0x27: {  	s1 =	sld [smem:$0x3FA6]  }
0x28: {  	s2 =	sld [smem:$0x3FA7]  }
0x29: {  	s4 =	sld [smem:$0x3FA9]  }
0x2a: {  	p0 =	seq.s32 s5, $0x0;
	s5 =	sld [smem:$0x3FAA]  }
0x2b: {  	s6 =	sld [smem:$0x3FAB]  }
0x2c: {  	s7 =	sld [smem:$0x3FAC]  }
0x2d: {  	s3 =	simm.s32 $0x108;
	s8 =	sld [smem:$0x3FAD]  }
0x2e: {  	s3 =	simm.s32 @!p0 $0x1082;
	s9 =	sld [smem:$0x3FAE]  }
0x2f: {  	lr =	sadd.s32 s0, s3;
	s0 =	sld [smem:$0x3FA5]  }
0x30: {  	s3 =	sld [smem:$0x3FA8]  }
0x31: {  	[smem:$0x3FB1] =	sst s10  }
0x32: {  	s10 =	sld [smem:$0x3FAF];
	_ =	sdelay $0x3  }
0x33: {  	p0 =	seq.s32 s10, $0x1;
	s10 =	sld [smem:$0x3FB1];
	_ =	sdelay $0x3  }
0x34: {  	[smem:$0x3FB1] =	sst s10  }
0x35: {  	s10 =	sld [smem:$0x3FB0];
	_ =	sdelay $0x3  }
0x36: {  	p1 =	seq.s32 s10, $0x1;
	s10 =	sld [smem:$0x3FB1];
	_ =	sdelay $0x3  }
0x37: {  	[smem:$0x3FB1] =	sst s10  }
0x38: {  	s10 =	sld [smem:$0x3FB2]  }
0x39: {  	_ = 	snop;
	(pc) =	sbr.ind lr, $3  }
0x3a: {  	_ = 	snop  }
0x3b: {  	_ = 	snop  }
0x3c: {  	p2 =	seq.s32 s10, $0x1;
	s10 =	sld [smem:$0x3FB1]  }
0x3d: {  	_ =	shalt  }
0x3e: {  	_ =	shalt  }
0x3f: {  	_ =	shalt  }
0x40: {  	_ =	shalt  }
0x41: {  	_ =	shalt  }
0x42: {  	_ =	shalt  }
0x43: {  	_ =	shalt  }
0x44: {  	_ =	shalt  }
0x45: {  	_ =	shalt  }
0x46: {  	_ =	shalt  }
0x47: {  	_ =	shalt  }
0x48: {  	_ =	shalt  }
0x49: {  	_ =	shalt  }
0x4a: {  	_ =	shalt  }
0x4b: {  	_ =	shalt  }
0x4c: {  	_ =	shalt  }
0x4d: {  	_ =	shalt  }
0x4e: {  	_ =	shalt  }
0x4f: {  	_ =	shalt  }
0x50: {  	_ =	shalt  }
0x51: {  	_ =	shalt  }
0x52: {  	_ =	shalt  }
0x53: {  	_ =	shalt  }
0x54: {  	_ =	shalt  }
0x55: {  	_ =	shalt  }
0x56: {  	_ =	shalt  }
0x57: {  	_ =	shalt  }
0x58: {  	_ =	shalt  }
0x59: {  	_ =	shalt  }
0x5a: {  	_ =	shalt  }
0x5b: {  	_ =	shalt  }
0x5c: {  	_ =	shalt  }
0x5d: {  	_ =	shalt  }
0x5e: {  	_ =	shalt  }
0x5f: {  	_ =	shalt  }
0x60: {  	_ =	shalt  }
0x61: {  	_ =	shalt  }
0x62: {  	_ =	shalt  }
0x63: {  	_ =	shalt  }
0x64: {  	_ =	shalt  }
0x65: {  	_ =	shalt  }
0x66: {  	_ =	shalt  }
0x67: {  	_ =	shalt  }
0x68: {  	_ =	shalt  }
0x69: {  	_ =	shalt  }
0x6a: {  	_ =	shalt  }
0x6b: {  	_ =	shalt  }
0x6c: {  	_ =	shalt  }
0x6d: {  	_ =	shalt  }
0x6e: {  	_ =	shalt  }
0x6f: {  	_ =	shalt  }
0x70: {  	_ =	shalt  }
0x71: {  	_ =	shalt  }
0x72: {  	_ =	shalt  }
0x73: {  	_ =	shalt  }
0x74: {  	_ =	shalt  }
0x75: {  	_ =	shalt  }
0x76: {  	_ =	shalt  }
0x77: {  	_ =	shalt  }
0x78: {  	_ =	shalt  }
0x79: {  	_ =	shalt  }
0x7a: {  	_ =	shalt  }
0x7b: {  	_ =	shalt  }
0x7c: {  	_ =	shalt  }
0x7d: {  	_ =	shalt  }
0x7e: {  	_ =	shalt  }
0x7f: {  	_ =	shalt  }
0x80: {  	_ =	shalt  }
0x81: {  	_ =	shalt  }
0x82: {  	_ =	shalt  }
0x83: {  	_ =	shalt  }
0x84: {  	_ =	shalt  }
0x85: {  	_ =	shalt  }
0x86: {  	_ =	shalt  }
0x87: {  	_ =	shalt  }
.Lfunc_end0:
.L_simem_size_0:
called_computation_lowered:
.L_overlay_start_0:
0x88: {  	s2 =	sld [smem:$0x3FD9]  }
0x89: {  	s3 =	sld [smem:$0x3FFE];
	_ =	sdelay $0x1  }
0x8a: {  	s1 =	srdreg.scid  }
0x8b: {  	s0 =	sand.u32 $0x1, s1  }
0x8c: {  	s14 =	sshll.u32 s0, $0xA;
	s2 =	sadd.s32 s3, s2  }
0x8d: {  	s2 =	sadd.s32 s2, s14  }
0x8e: {  	[smem:$0x3FBD] =	sst s2  }
0x8f: {  	_ = 	snop  }
0x90: {  	s2 =	sld [smem:$0x3FD0];
	_ =	sdelay $0x2  }
0x91: {  	s4 =	simm.s32 $0xA;
	s5 =	simm.s32 $0x10;
	s15 =	sld [smem:$0x3FC9]  }
0x92: {  	[smem:s5], [sflag:s4] =	dma.local [hbm:s2], $0x1  }
0x93: {  	_ =	swait.eq [sflag:s4], $0x1  }
0x94: {  	[sflag:s4] =	ssyncset.done $0x0  }
0x95: {  	[sflag:s4] =	ssyncadd.s32 $0xFFFFFFFF  }
0x96: {  	s16 =	sld [smem:$0x12];
	(tm) =	ssettm $0x1  }
0x97: {  	s17 =	sld [smem:$0x3FFB];
	_ =	sdelay $0x3  }
0x98: {  	_ =	strace s17  }
0x99: {  	s4 =	sld [smem:$0x3FFC];
	_ =	sdelay $0x3  }
0x9a: {  	_ =	strace s4  }
0x9b: {  	s4 =	sld [smem:$0x3FFD];
	_ =	sdelay $0x3  }
0x9c: {  	_ =	strace s4  }
0x9d: {  	_ =	strace $0x8FFFFFFF  }
0x9e: {  	s18 =	sld [smem:$0x3FDB];
	_ =	sdelay $0x1  }
0x9f: {  	s19 =	simm.s32 $_scs_section_size  }
0xa0: {  	s6 =	simm.s32 $_size__tile_overlayer_lowered;
	s7 =	simm.s32 $_tile_overlayer_lowered  }
0xa1: {  	s22 =	simm.s32 $0x1BFF;
	s21 =	sshll.u32 s7, $0x1;
	s4 =	sadd.s32 s19, s18  }
0xa2: {  	s8 =	simm.s32 $0x0;
	s20 =	sshll.u32 s6, $0x1;
	s6 =	sadd.s32 s21, s4  }
0xa3: {  	[timem:s8], [sflag:s22] =	dma.local [hbm:s6], s20  }
0xa4: {  	_ =	swait.ge [sflag:s22], s20  }
0xa5: {  	s5 =	ssub.s32 $0x0, s20;
	[sflag:s22] =	ssyncset.done $0x0  }
0xa6: {  	[sflag:s22] =	ssyncadd.s32 s5;
	_ =	sdelay $0x1  }
0xa7: {  	s23 =	simm.s32 $0x1B8B  }
0xa8: {  	_ =	swait.ge [sflag:s23], $0x1  }
0xa9: {  	[sflag:s23] =	ssyncset.done $0x0  }
0xaa: {  	s25 =	simm.s32 $0x1B8E;
	s24 =	sld [smem:$0x3FFE];
	[sflag:s23] =	ssyncadd.s32 $0xFFFFFFFF  }
0xab: {  	s26 =	simm.s32 $execute0_lowered;
	[smem:$0x3FD2] =	sst s25  }
0xac: {  	s6 =	sshll.u32 s26, $0x1;
	_ =	strace $0x80000046;
	[dreg:$0x1] =	wrdreg $0xFFFFFFFF  }
0xad: {  	s28 =	simm.s32 $_size_execute0_lowered;
	s4 =	sadd.s32 s4, s6;
	[dreg:$0x0] =	wrdreg $0x0  }
0xae: {  	s6 =	sshll.u32 s28, $0x1;
	[dreg:$0x2] =	wrdreg s4  }
0xaf: {  	[dreg:$0x3] =	wrdreg s6  }
0xb0: {  	[dreg:$0x4] =	wrdreg $0xC0  }
0xb1: {  	_ =	task [dreg:s8], $0x5FFFF  }
0xb2: {  	[dreg:$0x1] =	wrdreg $0xFFFFFFFF  }
0xb3: {  	[dreg:$0x0] =	wrdreg $0x60  }
0xb4: {  	[dreg:$0x2] =	wrdreg s15  }
0xb5: {  	[dreg:$0x3] =	wrdreg s24  }
0xb6: {  	[dreg:$0x4] =	wrdreg s16  }
0xb7: {  	[dreg:$0x5] =	wrdreg $0xA0000  }
0xb8: {  	[dreg:$0x6] =	wrdreg $0x9  }
0xb9: {  	_ =	task.clear_ibuf [dreg:s8], $0x7FFFF;
	_ =	strace $0x90000046  }
0xba: {  	s29 =	simm.s32 $0x9;
	_ =	strace $0x80000048  }
0xbb: {  	_ =	swait.ge [sflag:s29], $0x1  }
0xbc: {  	[sflag:s29] =	ssyncadd.s32 $0xFFFFFFFF  }
0xbd: {  	_ =	strace $0x90000048  }
0xbe: {  	_ =	sfence  }
0xbf: {  	s30 =	sld [smem:$0x0];
	_ =	sdelay $0x2  }
0xc0: {  	s31 =	sshll.u32 s1, $0xD;
	s1 =	sshrl.u32 s1, $0x2  }
0xc1: {  	s3 =	sand.u32 $0x4000, s31;
	s1 =	sadd.s32 s1, s30  }
0xc2: {  	s0 =	sor.u32 s3, s0;
	s1 =	sshll.u32 s1, $0x11  }
0xc3: {  	s0 =	sor.u32 s1, s0  }
0xc4: {  	s0 =	sadd.s32 $0x8F2B, s0  }
0xc5: {  	[sflag:s0] =	ssyncadd.remote.s32 $0x1  }
0xc6: {  	_ =	sfence.sel $0xFFFF  }
0xc7: {  	[dreg:$0x0] =	wrdreg $0xFFFFFFFF;
	(pc) =	sbr.abs _section_cstart, $3  }
0xc8: {  	[dreg:$0x1] =	wrdreg $0xFFFFFFFF  }
0xc9: {  	_ =	task.clear_ibuf [dreg:s8], $0x2FFFF;
	_ =	strace $0x9FFFFFFF  }
0xca: {  	(tm) =	ssettm $0x7FFFFFFF  }
0xcb: {  	_ =	shalt  }
tec
execute0_lowered:
.L_overlay_start_1:
0x0: {  	(tag) =	ssettag $0x1  }
0x1: {  	s1 =	rddreg [dreg:$0x0]  }
0x2: {  	s7 =	rddreg [dreg:$0x1]  }
0x3: {  	s9 =	rddreg [dreg:$0x2]  }
0x4: {  	s0 =	srdreg.scid;
	s3 =	rddreg [dreg:$0x3];
	s4 =	simm.s32 $0x0  }
0x5: {  	s15 =	simm.s32 $0x6000;
	s16 =	simm.s32 $0x1;
	s6 =	sand.u32 $0x1, s0  }
0x6: {  	s17 =	simm.s32 $0x0;
	s0 =	stileid.u32;
	s5 =	smul.u32 $0x140000, s6  }
0x7: {  	[smem:$0x7FF] =	sst s4;
	s2 =	sshll.u32 s6, $0x4;
	s8 =	smul.u32 $0x14000, s0  }
0x8: {  	s12 =	ssub.s32 $0x2, s6;
	s29 =	smul.u32 $0x50000, s0;
	p0 =	seq.s32 s6, $0x0  }
0x9: {  	s6 =	simm.s32 $0x5E;
	s31 =	sshll.u32 s0, $0x6;
	s2 =	sor.u32 s0, s2  }
0xa: {  	s28 =	sshrl.u32 s12, $0x1;
	s6 =	simm.s32 @!p0 $0x3F;
	s10 =	smul.u32 $0x600, s2  }
0xb: {  	s2 =	rddreg [dreg:$0x4];
	_ =	strace $0x80000047;
	s8 =	sadd.s32 s8, s5  }
0xc: {  	s5 =	sadd.s32 $0xEE00, s7;
	s12 =	ssub.s32 s12, s28;
	s30 =	sshrl.u32 s29, $0x2  }
0xd: {  	s8 =	sshrl.u32 s8, $0x3;
	s14 =	sadd.s32 s30, s3;
	s11 =	sadd.s32 s10, s7  }
0xe: {  	s13 =	sadd.s32 s8, s7;
	s7 =	sor.u32 $0x1C02, s31;
	s9 =	sadd.s32 s9, s10  }
0xf: {  	s8 =	sadd.s32 $0x2E00, s11;
	s10 =	sadd.s32 $0x11600, s13;
	s11 =	smax.u32 s12, $0x1  }
0x10: {  	s12 =	sshrl.u32 s14, $0x3;
	s13 =	simm.s32 $0x2;
	s14 =	simm.s32 $0x80  }
.LBB2_1:
0x11: {  	[spmem:s12], [sflag:s7] =	dma.local [hbm:s5], $0x2800  }
0x12: {  	_ =	swait.ge [sflag:s13], $0x2800  }
0x13: {  	[sflag:s13] =	ssyncset.done $0x0  }
0x14: {  	[sflag:s13] =	ssyncadd.s32 $0xFFFFD800  }
0x15: {  	[tilespmem:s4], [sflag:$0x2] =	stream.linear.gather [hbm4b:s8+s4], $0x2F00, $0x38;
	[tilespmem:$0x1E000] =	vst v63  }
0x16: {  	_ =	swait.ge [sflag:s13], $0x2F00  }
0x17: {  	[sflag:s13] =	ssyncset.done $0x0  }
0x18: {  	s18 =	simm.s32 $0x3000;
	[sflag:s13] =	ssyncadd.s32 $0xFFFFD100  }
0x19: {  	[tilespmem:s18], [sflag:$0x2] =	stream.linear.gather [hbm4b:s9+s4], $0x2F00, $0x38;
	[tilespmem:$0x1E000] =	vst v63  }
0x1a: {  	_ =	swait.ge [sflag:s13], $0x2F00  }
0x1b: {  	[sflag:s13] =	ssyncset.done $0x0  }
0x1c: {  	[sflag:s13] =	ssyncadd.s32 $0xFFFFD100  }
0x1d: {  	[bflag:$0x0] =	sbarrier.arrive $0xFFFF  }
0x1e: {  	[tilespmem:s15], [sflag:$0x1] =	stream.indirect.gather [hbm4b:s1+s14], $0x80, s4, s14, $0xb8;
	[tilespmem:$0x1E000] =	vst v63  }
0x1f: {  	p0 =	sne.s32 s6, $0x1;
	_ =	swait.ge [sflag:s16], $0x4000  }
.Ltmp0:
0x20: {  	[sflag:s16] =	ssyncset.done $0x0;
	(pc) =	sbr.rel @!p0 .LBB2_3-.Ltmp0, $4  }
0x21: {  	[sflag:s16] =	ssyncadd.s32 $0xFFFFC000  }
0x22: {  	[spmem:s3] =	stream.indirect.scatter.add.f32 [tilespmem:s15], [sflag:$0x2], $0x80, s18, s14, $0xb8;
	[tilespmem:$0x1E000] =	vst v63  }
0x23: {  	_ =	swait.ge [sflag:s13], $0x4000  }
0x24: {  	s19 =	sadd.s32 $0xFFFFFFFF, s6;
	s20 =	simm.s32 $0x0;
	[sflag:s13] =	ssyncset.done $0x0  }
.LBB2_2:
0x25: {  	[sflag:s13] =	ssyncadd.s32 $0xFFFFC000;
	s20 =	sadd.s32 $0x80, s20;
	s18 =	sadd.s32 $0x80, s18  }
0x26: {  	[tilespmem:s15], [sflag:$0x1] =	stream.indirect.gather [hbm4b:s1+s14], $0x80, s20, s14, $0xb8;
	[tilespmem:$0x1E000] =	vst v63  }
0x27: {  	p0 =	sne.s32 s19, $0x1;
	s19 =	sadd.s32 $0xFFFFFFFF, s19;
	_ =	swait.ge [sflag:s16], $0x4000  }
.Ltmp1:
0x28: {  	[sflag:s16] =	ssyncset.done $0x0;
	(pc) =	sbr.rel @p0 .LBB2_2-.Ltmp1, $4  }
0x29: {  	[sflag:s16] =	ssyncadd.s32 $0xFFFFC000  }
0x2a: {  	[spmem:s3] =	stream.indirect.scatter.add.f32 [tilespmem:s15], [sflag:$0x2], $0x80, s18, s14, $0xb8;
	[tilespmem:$0x1E000] =	vst v63  }
0x2b: {  	_ =	swait.ge [sflag:s13], $0x4000  }
0x2c: {  	[sflag:s13] =	ssyncset.done $0x0  }
.LBB2_3:
0x2d: {  	s17 =	sadd.s32 $0x1, s17  }
0x2e: {  	[sflag:s13] =	ssyncadd.s32 $0xFFFFC000;
	p0 =	sne.s32 s17, s11  }
.Ltmp2:
0x2f: {  	[bflag:$0x0] =	sbarrier.arrive $0xFFFF;
	(pc) =	sbr.rel @p0 .LBB2_1-.Ltmp2, $4  }
0x30: {  	[hbm:s10], [sflag:s7] =	dma.local [spmem:s12], $0x2800  }
0x31: {  	_ =	swait.ge [sflag:s13], $0x2800  }
0x32: {  	[sflag:s13] =	ssyncset.done $0x0  }
0x33: {  	[sflag:s13] =	ssyncadd.s32 $0xFFFFD800  }
0x34: {  	_ =	sfence.sel $0x180000  }
0x35: {  	[bflag:$0x0] =	sbarrier.arrive $0xFFFF  }
0x36: {  	p0 =	sne.s32 s0, $0x0;
	_ =	strace $0x90000047  }
0x37: {  	s0 =	sadd.s32 @!p0 $0x100000, s2;
	[bflag:$0x2] =	sbarrier.arrive $0xFFFF  }
0x38: {  	[sflag:s0] =	ssyncadd.tile.s32 @!p0 $0x1;
	_ =	shalt  }
.Lfunc_end2:
_tile_overlayer_lowered:
.L_overlay_start_2:
0x39: {  	(tag) =	ssettag $0x2  }
0x3a: {  	s0 =	rddreg [dreg:$0x0];
	s2 =	stileid.u32  }
0x3b: {  	s1 =	rddreg [dreg:$0x1];
	p0 =	sne.s32 s2, $0x0  }
0x3c: {  	s3 =	rddreg [dreg:$0x2];
	[bflag:$0x3] =	sbarrier.arrive $0xFFFF;
	s2 =	simm.s32 @!p0 $0x1C02  }
0x3d: {  	[timem:s3], [sflag:s2] =	dma.local @!p0 [hbm:s0], s1  }
0x3e: {  	s0 =	simm.s32 @!p0 $0x2  }
0x3f: {  	_ =	swait.ge @!p0 [sflag:s0], s1  }
0x40: {  	s1 =	ssub.s32 @!p0 $0x0, s1;
	[sflag:s0] =	ssyncset.done @!p0 $0x0  }
0x41: {  	[sflag:s0] =	ssyncadd.s32 @!p0 s1  }
0x42: {  	[bflag:$0x3] =	sbarrier.arrive $0xFFFF  }
0x43: {  	_ =	shalt  }

</sc_bundles>
